<compile_context>
chip_gen: v7x
topology: tpu7x:2x2x1
jax: 0.10.2.dev20260603
libtpu: 0.0.44.dev20260713+nightly
codegen_flags: <defaults>
</compile_context>

<pallas_src>
import functools

import jax
import jax.numpy as jnp
from jax import lax
from jax.experimental import pallas as pl
from jax.experimental.pallas import tpu as pltpu
from jax.experimental.pallas import tpu_sc as plsc

N = 10000
E = 160000
D = 256
DH = 128
NSUB = 16
B = 80
EPT = E // NSUB
NB = EPT // B
RPT = 624
RB = 1000
BN_EPS_C = 1e-5


def _make_sc_aggregate():
    mesh = plsc.VectorSubcoreMesh(core_axis_name="c", subcore_axis_name="s")

    @functools.partial(
        pl.kernel,
        mesh=mesh,
        out_type=jax.ShapeDtypeStruct((2, N, DH), jnp.float32),
        scratch_types=[
            pltpu.VMEM((B,), jnp.int32),
            pltpu.VMEM((B,), jnp.int32),
            pltpu.VMEM((B * 8 + 16,), jnp.float32),
            pltpu.VMEM((B, DH), jnp.float32),
            pltpu.VMEM((B, DH), jnp.float32),
            pltpu.VMEM((7, DH), jnp.float32),
            pltpu.VMEM((DH,), jnp.float32),
            pltpu.VMEM((208, DH), jnp.float32),
            pltpu.VMEM_SHARED((N, DH), jnp.float32),
            pltpu.SemaphoreType.DMA,
        ],
    )
    def sc_aggr(x0, x1, srcs, dsts, attr, wenc, benc,
                out, src_v, dst_v, attr_v, xbuf, mbuf, w_v, b_v, zbuf,
                acc, sem):
        c = lax.axis_index("c")
        s = lax.axis_index("s")
        pltpu.sync_copy(wenc.at[c], w_v)
        pltpu.sync_copy(benc.at[c], b_v)

        z16 = jnp.zeros((16,), jnp.float32)

        def zrow(j, carry):
            for g in range(DH // 16):
                zbuf[j, pl.ds(g * 16, 16)] = z16
            return carry

        lax.fori_loop(0, 208, zrow, 0)
        r0 = pl.multiple_of(s * RPT, 8)
        for t in range(3):
            pltpu.sync_copy(zbuf, acc.at[pl.ds(r0 + t * 208, 208)])

        @pl.when(s == 0)
        def _():
            pltpu.sync_copy(zbuf.at[pl.ds(0, 16)],
                            acc.at[pl.ds(NSUB * RPT, N - NSUB * RPT)])

        plsc.subcore_barrier()

        def batch(bi, carry):
            off = pl.multiple_of(s * EPT + bi * B, 8)
            pltpu.sync_copy(srcs.at[pl.ds(off, B)], src_v)
            pltpu.sync_copy(dsts.at[pl.ds(off, B)], dst_v)
            pltpu.sync_copy(attr.at[pl.ds(off * 8, B * 8)],
                            attr_v.at[pl.ds(0, B * 8)])

            @pl.when(c == 0)
            def _():
                pltpu.async_copy(x0.at[src_v], xbuf, sem).wait()

            @pl.when(c == 1)
            def _():
                pltpu.async_copy(x1.at[src_v], xbuf, sem).wait()

            for p in range(2):
                base = p * 64
                wv = [[w_v[k, pl.ds(base + g * 16, 16)] for g in range(4)]
                      for k in range(7)]
                bv = [b_v[pl.ds(base + g * 16, 16)] for g in range(4)]

                def edge(j, cc):
                    av = attr_v[pl.ds(j * 8, 16)]
                    a = [av[k] for k in range(7)]
                    for g in range(4):
                        e = bv[g]
                        for k in range(7):
                            e = e + a[k] * wv[k][g]
                        xv = xbuf[j, pl.ds(base + g * 16, 16)]
                        mbuf[j, pl.ds(base + g * 16, 16)] = jnp.maximum(
                            xv + e, 0.0)
                    return cc

                lax.fori_loop(0, B, edge, 0)

            pltpu.sync_copy(mbuf, acc.at[dst_v], add=True)
            return carry

        lax.fori_loop(0, NB, batch, 0)
        plsc.subcore_barrier()
        pltpu.sync_copy(acc.at[pl.ds(r0, RPT)], out.at[c, pl.ds(r0, RPT)])

        @pl.when(s == 0)
        def _():
            tail = pl.multiple_of(NSUB * RPT, 8)
            pltpu.sync_copy(acc.at[pl.ds(tail, N - NSUB * RPT)],
                            out.at[c, pl.ds(tail, N - NSUB * RPT)])

    return sc_aggr


_sc_aggregate = _make_sc_aggregate()


def _mlp1_body(eps_ref, x_ref, a0_ref, a1_ref, w1_ref, b1_ref,
               h1_ref, st_ref):
    i = pl.program_id(0)
    scale = 1.0 + eps_ref[0, 0]
    aggr = jnp.concatenate([a0_ref[0], a1_ref[0]], axis=1)
    h = scale * x_ref[...] + aggr
    h1 = jnp.dot(h, w1_ref[...], preferred_element_type=jnp.float32) \
        + b1_ref[...]
    h1_ref[...] = h1

    @pl.when(i == 0)
    def _():
        st_ref[...] = jnp.zeros_like(st_ref)

    upd = jnp.concatenate([
        jnp.sum(h1, axis=0, keepdims=True),
        jnp.sum(h1 * h1, axis=0, keepdims=True),
        jnp.zeros((6, 2 * D), jnp.float32)], axis=0)
    st_ref[...] = st_ref[...] + upd


def _mlp2_body(h1_ref, st_ref, g_ref, be_ref, w2_ref, b2_ref, o_ref):
    mu = st_ref[0:1, :] * (1.0 / N)
    ms = st_ref[1:2, :] * (1.0 / N)
    var = ms - mu * mu
    inv = lax.rsqrt(var + BN_EPS_C)
    h1n = (h1_ref[...] - mu) * (inv * g_ref[...]) + be_ref[...]
    o_ref[...] = jnp.dot(jnp.maximum(h1n, 0.0), w2_ref[...],
                         preferred_element_type=jnp.float32) + b2_ref[...]


def kernel(x, edge_index, edge_attr, W_enc, b_enc, eps,
           W1, b1, bn_gamma, bn_beta, W2, b2):
    src = edge_index[0].astype(jnp.int32)
    dst = edge_index[1].astype(jnp.int32)
    x0 = x[:, :DH]
    x1 = x[:, DH:]
    wenc2 = jnp.stack([W_enc[:, :DH], W_enc[:, DH:]])
    benc2 = jnp.reshape(b_enc, (2, DH))
    attr8 = jnp.reshape(
        jnp.pad(edge_attr, ((0, 0), (0, 1))), (E * 8,))

    aggr2 = _sc_aggregate(x0, x1, src, dst, attr8, wenc2, benc2)

    grid = (N // RB,)
    h1, stats = pl.pallas_call(
        _mlp1_body,
        grid=grid,
        in_specs=[
            pl.BlockSpec((1, 1), lambda i: (0, 0), memory_space=pltpu.SMEM),
            pl.BlockSpec((RB, D), lambda i: (i, 0)),
            pl.BlockSpec((1, RB, DH), lambda i: (0, i, 0)),
            pl.BlockSpec((1, RB, DH), lambda i: (1, i, 0)),
            pl.BlockSpec((D, 2 * D), lambda i: (0, 0)),
            pl.BlockSpec((1, 2 * D), lambda i: (0, 0)),
        ],
        out_specs=[
            pl.BlockSpec((RB, 2 * D), lambda i: (i, 0)),
            pl.BlockSpec((8, 2 * D), lambda i: (0, 0)),
        ],
        out_shape=[
            jax.ShapeDtypeStruct((N, 2 * D), jnp.float32),
            jax.ShapeDtypeStruct((8, 2 * D), jnp.float32),
        ],
    )(jnp.reshape(eps, (1, 1)), x, aggr2, aggr2, W1,
      jnp.reshape(b1, (1, 2 * D)))

    out = pl.pallas_call(
        _mlp2_body,
        grid=grid,
        in_specs=[
            pl.BlockSpec((RB, 2 * D), lambda i: (i, 0)),
            pl.BlockSpec((8, 2 * D), lambda i: (0, 0)),
            pl.BlockSpec((1, 2 * D), lambda i: (0, 0)),
            pl.BlockSpec((1, 2 * D), lambda i: (0, 0)),
            pl.BlockSpec((2 * D, D), lambda i: (0, 0)),
            pl.BlockSpec((1, D), lambda i: (0, 0)),
        ],
        out_specs=pl.BlockSpec((RB, D), lambda i: (i, 0)),
        out_shape=jax.ShapeDtypeStruct((N, D), jnp.float32),
    )(h1, stats, jnp.reshape(bn_gamma, (1, 2 * D)),
      jnp.reshape(bn_beta, (1, 2 * D)), W2, jnp.reshape(b2, (1, D)))

    return out

# --- scband reference (transcript-rebuilt; emitter-appended) ---
"""Pipeline reference for scband-gineconv-custom-38938173505906 (READ-ONLY COPY).

The authoritative reference and input builder live on the scoring server;
editing this copy changes nothing except your own understanding.
"""

import jax, jax.numpy as jnp
import numpy as np

N = 10000
E = 160000
D = 256
BN_EPS = 1e-5

def setup_inputs(seed: int = 0) -> dict:
    key = jax.random.key(seed)
    ks = jax.random.split(key, 12)
    x = jax.random.normal(ks[0], (N, D), dtype=jnp.float32)
    edge_index = jax.random.randint(ks[1], (2, E), 0, N, dtype=jnp.int64)
    edge_attr = jax.random.normal(ks[2], (E, 7), dtype=jnp.float32)
    # edge encoder Linear(7, D)
    W_enc = jax.random.normal(ks[3], (7, D), dtype=jnp.float32) * (1.0 / np.sqrt(7))
    b_enc = jnp.zeros((D,), dtype=jnp.float32)
    # GINE train_eps parameter (init 0.0)
    eps = jnp.zeros((), dtype=jnp.float32)
    # MLP: Linear(D, 2D) -> BN(2D) -> ReLU -> Linear(2D, D)
    W1 = jax.random.normal(ks[4], (D, 2 * D), dtype=jnp.float32) * (1.0 / np.sqrt(D))
    b1 = jnp.zeros((2 * D,), dtype=jnp.float32)
    bn_gamma = jnp.ones((2 * D,), dtype=jnp.float32)
    bn_beta = jnp.zeros((2 * D,), dtype=jnp.float32)
    W2 = jax.random.normal(ks[5], (2 * D, D), dtype=jnp.float32) * (1.0 / np.sqrt(2 * D))
    b2 = jnp.zeros((D,), dtype=jnp.float32)
    return {"x": x, "edge_index": edge_index, "edge_attr": edge_attr,
            "W_enc": W_enc, "b_enc": b_enc, "eps": eps,
            "W1": W1, "b1": b1, "bn_gamma": bn_gamma, "bn_beta": bn_beta,
            "W2": W2, "b2": b2}

def reference(x, edge_index, edge_attr, W_enc, b_enc, eps, W1, b1, bn_gamma, bn_beta, W2, b2):
    # edge encoder
    e = edge_attr @ W_enc + b_enc
    src = edge_index[0]
    dst = edge_index[1]
    # GINEConv message: relu(x_j + edge_emb), aggregate sum at dst
    msg = jax.nn.relu(x[src] + e)
    aggr = jax.ops.segment_sum(msg, dst, num_segments=N)
    h = (1.0 + eps) * x + aggr
    # MLP with BatchNorm (training-mode batch statistics)
    h1 = h @ W1 + b1
    mu = jnp.mean(h1, axis=0)
    var = jnp.mean((h1 - mu) ** 2, axis=0)
    h1n = (h1 - mu) / jnp.sqrt(var + BN_EPS) * bn_gamma + bn_beta
    out = jax.nn.relu(h1n) @ W2 + b2
    return out

if __name__ == "__main__":
    import jax
    _d = setup_inputs()
    print(jax.jit(kernel)(*tuple(_d.values())))

</pallas_src>

<mosaic_0001>
#map = affine_map<(d0, d1) -> (0, 0)>
#map1 = affine_map<(d0, d1) -> (0)>
#map2 = affine_map<(d0, d1) -> (0, 0, 0)>
module attributes {stable_mosaic.version = 14 : i64} {
  func.func @sc_aggr(%arg0: i32, %arg1: i32, %arg2: memref<10000x128xf32, #tpu.memory_space<hbm>>, %arg3: memref<10000x128xf32, #tpu.memory_space<hbm>>, %arg4: memref<160000xi32, #tpu.memory_space<hbm>>, %arg5: memref<160000xi32, #tpu.memory_space<hbm>>, %arg6: memref<1280000xf32, #tpu.memory_space<hbm>>, %arg7: memref<2x7x128xf32, #tpu.memory_space<hbm>>, %arg8: memref<2x128xf32, #tpu.memory_space<hbm>>, %arg9: memref<2x10000x128xf32, #tpu.memory_space<hbm>>, %arg10: memref<80xi32, #tpu.memory_space<vmem>>, %arg11: memref<80xi32, #tpu.memory_space<vmem>>, %arg12: memref<656xf32, #tpu.memory_space<vmem>>, %arg13: memref<80x128xf32, #tpu.memory_space<vmem>>, %arg14: memref<80x128xf32, #tpu.memory_space<vmem>>, %arg15: memref<7x128xf32, #tpu.memory_space<vmem>>, %arg16: memref<128xf32, #tpu.memory_space<vmem>>, %arg17: memref<208x128xf32, #tpu.memory_space<vmem>>, %arg18: memref<10000x128xf32, #tpu.memory_space<vmem_shared>>, %arg19: memref<!tpu.dma_semaphore, #tpu.memory_space<semaphore_mem>>) attributes {dimension_semantics = [#tpu.dimension_semantics<core_parallel>, #tpu.dimension_semantics<subcore_parallel>], iteration_bounds = array<i64: 2, 16>, scalar_prefetch = 0 : i64, scratch_operands = 10 : i64, tpu.core_type = #tpu.core_type<sc_vector_subcore>, window_params = [{transform_indices = #map}, {transform_indices = #map}, {transform_indices = #map1}, {transform_indices = #map1}, {transform_indices = #map1}, {transform_indices = #map2}, {transform_indices = #map}, {transform_indices = #map2}]} {
    "tpu.region"() ({
      %run_scoped3A = tpu.sem_alloc : memref<!tpu.dma_semaphore, #tpu.memory_space<semaphore_mem>>
      %dma_start3A = arith.constant 0 : i32
      %dma_start3A_26 = arith.constant 0 : i32
      %dma_start3A_27 = tpu.memref_slice %arg7[%arg0, %dma_start3A, %dma_start3A_26] : memref<2x7x128xf32, #tpu.memory_space<hbm>> -> memref<1x7x128xf32, #tpu.memory_space<hbm>>
      %dma_start3A_28 = tpu.memref_squeeze %dma_start3A_27 : memref<1x7x128xf32, #tpu.memory_space<hbm>> -> memref<7x128xf32, #tpu.memory_space<hbm>>
      %dma_start3A_29 = arith.constant 0 : i32
      %dma_start3A_30 = arith.constant 0 : i32
      %dma_start3A_31 = tpu.memref_slice %arg7[%arg0, %dma_start3A_29, %dma_start3A_30] : memref<2x7x128xf32, #tpu.memory_space<hbm>> -> memref<1x7x128xf32, #tpu.memory_space<hbm>>
      %dma_start3A_32 = tpu.memref_squeeze %dma_start3A_31 : memref<1x7x128xf32, #tpu.memory_space<hbm>> -> memref<7x128xf32, #tpu.memory_space<hbm>>
      tpu.enqueue_dma source(%dma_start3A_32 : memref<7x128xf32, #tpu.memory_space<hbm>>) target(%arg15 : memref<7x128xf32, #tpu.memory_space<vmem>>) target_semaphore(%run_scoped3A : memref<!tpu.dma_semaphore, #tpu.memory_space<semaphore_mem>>)
      %dma_wait3A = arith.constant 0 : i32
      %dma_wait3A_33 = arith.constant 0 : i32
      %dma_wait3A_34 = tpu.memref_slice %arg7[%arg0, %dma_wait3A, %dma_wait3A_33] : memref<2x7x128xf32, #tpu.memory_space<hbm>> -> memref<1x7x128xf32, #tpu.memory_space<hbm>>
      %dma_wait3A_35 = tpu.memref_squeeze %dma_wait3A_34 : memref<1x7x128xf32, #tpu.memory_space<hbm>> -> memref<7x128xf32, #tpu.memory_space<hbm>>
      %dma_wait3A_36 = arith.constant 0 : i32
      %dma_wait3A_37 = arith.constant 0 : i32
      %dma_wait3A_38 = tpu.memref_slice %arg7[%arg0, %dma_wait3A_36, %dma_wait3A_37] : memref<2x7x128xf32, #tpu.memory_space<hbm>> -> memref<1x7x128xf32, #tpu.memory_space<hbm>>
      %dma_wait3A_39 = tpu.memref_squeeze %dma_wait3A_38 : memref<1x7x128xf32, #tpu.memory_space<hbm>> -> memref<7x128xf32, #tpu.memory_space<hbm>>
      tpu.wait_dma2 semaphore(%run_scoped3A : memref<!tpu.dma_semaphore, #tpu.memory_space<semaphore_mem>>) src(%dma_wait3A_39 : memref<7x128xf32, #tpu.memory_space<hbm>>) dst(%arg15 : memref<7x128xf32, #tpu.memory_space<vmem>>)
      tpu.yield
    }) : () -> ()
    "tpu.region"() ({
      %run_scoped3A = tpu.sem_alloc : memref<!tpu.dma_semaphore, #tpu.memory_space<semaphore_mem>>
      %dma_start3A = arith.constant 0 : i32
      %dma_start3A_26 = tpu.memref_slice %arg8[%arg0, %dma_start3A] : memref<2x128xf32, #tpu.memory_space<hbm>> -> memref<1x128xf32, #tpu.memory_space<hbm>>
      %dma_start3A_27 = tpu.memref_squeeze %dma_start3A_26 : memref<1x128xf32, #tpu.memory_space<hbm>> -> memref<128xf32, #tpu.memory_space<hbm>>
      %dma_start3A_28 = arith.constant 0 : i32
      %dma_start3A_29 = tpu.memref_slice %arg8[%arg0, %dma_start3A_28] : memref<2x128xf32, #tpu.memory_space<hbm>> -> memref<1x128xf32, #tpu.memory_space<hbm>>
      %dma_start3A_30 = tpu.memref_squeeze %dma_start3A_29 : memref<1x128xf32, #tpu.memory_space<hbm>> -> memref<128xf32, #tpu.memory_space<hbm>>
      tpu.enqueue_dma source(%dma_start3A_30 : memref<128xf32, #tpu.memory_space<hbm>>) target(%arg16 : memref<128xf32, #tpu.memory_space<vmem>>) target_semaphore(%run_scoped3A : memref<!tpu.dma_semaphore, #tpu.memory_space<semaphore_mem>>)
      %dma_wait3A = arith.constant 0 : i32
      %dma_wait3A_31 = tpu.memref_slice %arg8[%arg0, %dma_wait3A] : memref<2x128xf32, #tpu.memory_space<hbm>> -> memref<1x128xf32, #tpu.memory_space<hbm>>
      %dma_wait3A_32 = tpu.memref_squeeze %dma_wait3A_31 : memref<1x128xf32, #tpu.memory_space<hbm>> -> memref<128xf32, #tpu.memory_space<hbm>>
      %dma_wait3A_33 = arith.constant 0 : i32
      %dma_wait3A_34 = tpu.memref_slice %arg8[%arg0, %dma_wait3A_33] : memref<2x128xf32, #tpu.memory_space<hbm>> -> memref<1x128xf32, #tpu.memory_space<hbm>>
      %dma_wait3A_35 = tpu.memref_squeeze %dma_wait3A_34 : memref<1x128xf32, #tpu.memory_space<hbm>> -> memref<128xf32, #tpu.memory_space<hbm>>
      tpu.wait_dma2 semaphore(%run_scoped3A : memref<!tpu.dma_semaphore, #tpu.memory_space<semaphore_mem>>) src(%dma_wait3A_35 : memref<128xf32, #tpu.memory_space<hbm>>) dst(%arg16 : memref<128xf32, #tpu.memory_space<vmem>>)
      tpu.yield
    }) : () -> ()
    %broadcast_in_dim3A = arith.constant 0.000000e+00 : f32
    %broadcast_in_dim3A_0 = vector.broadcast %broadcast_in_dim3A : f32 to vector<16xf32>
    %scan3A = arith.constant 0 : i32
    %scan3A_1 = arith.constant 0 : i32
    %scan3A_2 = arith.constant 208 : i32
    %scan3A_3 = arith.addi %scan3A_1, %scan3A_2 : i32
    %scan3A_4 = arith.constant 1 : i32
    scf.for %scan3A_26 = %scan3A_1 to %scan3A_3 step %scan3A_4  : i32 {
      %swap3A = arith.index_cast %scan3A_26 : i32 to index
      %swap3A_27 = arith.constant 0 : index
      %swap3A_28 = tpu.vector_load %arg17[%swap3A, %swap3A_27] {strides = array<i32>} : memref<208x128xf32, #tpu.memory_space<vmem>>, vector<1x16xf32>,
      %swap3A_29 = vector.shape_cast %swap3A_28 : vector<1x16xf32> to vector<16xf32>
      %swap3A_30 = vector.shape_cast %broadcast_in_dim3A_0 : vector<16xf32> to vector<1x16xf32>
      tpu.vector_store %arg17[%swap3A, %swap3A_27], %swap3A_30 {strides = array<i32>} : memref<208x128xf32, #tpu.memory_space<vmem>>, vector<1x16xf32>,
      %swap3A_31 = arith.index_cast %scan3A_26 : i32 to index
      %swap3A_32 = arith.constant 16 : index
      %swap3A_33 = tpu.vector_load %arg17[%swap3A_31, %swap3A_32] {strides = array<i32>} : memref<208x128xf32, #tpu.memory_space<vmem>>, vector<1x16xf32>,
      %swap3A_34 = vector.shape_cast %swap3A_33 : vector<1x16xf32> to vector<16xf32>
      %swap3A_35 = vector.shape_cast %broadcast_in_dim3A_0 : vector<16xf32> to vector<1x16xf32>
      tpu.vector_store %arg17[%swap3A_31, %swap3A_32], %swap3A_35 {strides = array<i32>} : memref<208x128xf32, #tpu.memory_space<vmem>>, vector<1x16xf32>,
      %swap3A_36 = arith.index_cast %scan3A_26 : i32 to index
      %swap3A_37 = arith.constant 32 : index
      %swap3A_38 = tpu.vector_load %arg17[%swap3A_36, %swap3A_37] {strides = array<i32>} : memref<208x128xf32, #tpu.memory_space<vmem>>, vector<1x16xf32>,
      %swap3A_39 = vector.shape_cast %swap3A_38 : vector<1x16xf32> to vector<16xf32>
      %swap3A_40 = vector.shape_cast %broadcast_in_dim3A_0 : vector<16xf32> to vector<1x16xf32>
      tpu.vector_store %arg17[%swap3A_36, %swap3A_37], %swap3A_40 {strides = array<i32>} : memref<208x128xf32, #tpu.memory_space<vmem>>, vector<1x16xf32>,
      %swap3A_41 = arith.index_cast %scan3A_26 : i32 to index
      %swap3A_42 = arith.constant 48 : index
      %swap3A_43 = tpu.vector_load %arg17[%swap3A_41, %swap3A_42] {strides = array<i32>} : memref<208x128xf32, #tpu.memory_space<vmem>>, vector<1x16xf32>,
      %swap3A_44 = vector.shape_cast %swap3A_43 : vector<1x16xf32> to vector<16xf32>
      %swap3A_45 = vector.shape_cast %broadcast_in_dim3A_0 : vector<16xf32> to vector<1x16xf32>
      tpu.vector_store %arg17[%swap3A_41, %swap3A_42], %swap3A_45 {strides = array<i32>} : memref<208x128xf32, #tpu.memory_space<vmem>>, vector<1x16xf32>,
      %swap3A_46 = arith.index_cast %scan3A_26 : i32 to index
      %swap3A_47 = arith.constant 64 : index
      %swap3A_48 = tpu.vector_load %arg17[%swap3A_46, %swap3A_47] {strides = array<i32>} : memref<208x128xf32, #tpu.memory_space<vmem>>, vector<1x16xf32>,
      %swap3A_49 = vector.shape_cast %swap3A_48 : vector<1x16xf32> to vector<16xf32>
      %swap3A_50 = vector.shape_cast %broadcast_in_dim3A_0 : vector<16xf32> to vector<1x16xf32>
      tpu.vector_store %arg17[%swap3A_46, %swap3A_47], %swap3A_50 {strides = array<i32>} : memref<208x128xf32, #tpu.memory_space<vmem>>, vector<1x16xf32>,
      %swap3A_51 = arith.index_cast %scan3A_26 : i32 to index
      %swap3A_52 = arith.constant 80 : index
      %swap3A_53 = tpu.vector_load %arg17[%swap3A_51, %swap3A_52] {strides = array<i32>} : memref<208x128xf32, #tpu.memory_space<vmem>>, vector<1x16xf32>,
      %swap3A_54 = vector.shape_cast %swap3A_53 : vector<1x16xf32> to vector<16xf32>
      %swap3A_55 = vector.shape_cast %broadcast_in_dim3A_0 : vector<16xf32> to vector<1x16xf32>
      tpu.vector_store %arg17[%swap3A_51, %swap3A_52], %swap3A_55 {strides = array<i32>} : memref<208x128xf32, #tpu.memory_space<vmem>>, vector<1x16xf32>,
      %swap3A_56 = arith.index_cast %scan3A_26 : i32 to index
      %swap3A_57 = arith.constant 96 : index
      %swap3A_58 = tpu.vector_load %arg17[%swap3A_56, %swap3A_57] {strides = array<i32>} : memref<208x128xf32, #tpu.memory_space<vmem>>, vector<1x16xf32>,
      %swap3A_59 = vector.shape_cast %swap3A_58 : vector<1x16xf32> to vector<16xf32>
      %swap3A_60 = vector.shape_cast %broadcast_in_dim3A_0 : vector<16xf32> to vector<1x16xf32>
      tpu.vector_store %arg17[%swap3A_56, %swap3A_57], %swap3A_60 {strides = array<i32>} : memref<208x128xf32, #tpu.memory_space<vmem>>, vector<1x16xf32>,
      %swap3A_61 = arith.index_cast %scan3A_26 : i32 to index
      %swap3A_62 = arith.constant 112 : index
      %swap3A_63 = tpu.vector_load %arg17[%swap3A_61, %swap3A_62] {strides = array<i32>} : memref<208x128xf32, #tpu.memory_space<vmem>>, vector<1x16xf32>,
      %swap3A_64 = vector.shape_cast %swap3A_63 : vector<1x16xf32> to vector<16xf32>
      %swap3A_65 = vector.shape_cast %broadcast_in_dim3A_0 : vector<16xf32> to vector<1x16xf32>
      tpu.vector_store %arg17[%swap3A_61, %swap3A_62], %swap3A_65 {strides = array<i32>} : memref<208x128xf32, #tpu.memory_space<vmem>>, vector<1x16xf32>,
    }
    %scan3A_5 = arith.constant 208 : i32
    %mul3A = arith.constant 624 : i32
    %mul3A_6 = arith.muli %arg1, %mul3A : i32
    %multiple_of3A = tpu.assume_multiple %mul3A_6, 8 : i32
    %add3A = arith.constant 0 : i32
    %add3A_7 = arith.addi %multiple_of3A, %add3A : i32
    "tpu.region"() ({
      %run_scoped3A = tpu.sem_alloc : memref<!tpu.dma_semaphore, #tpu.memory_space<semaphore_mem>>
      %dma_start3A = arith.constant 0 : i32
      %dma_start3A_26 = tpu.memref_slice %arg18[%add3A_7, %dma_start3A] : memref<10000x128xf32, #tpu.memory_space<vmem_shared>> -> memref<208x128xf32, #tpu.memory_space<vmem_shared>>
      %dma_start3A_27 = arith.constant 0 : i32
      %dma_start3A_28 = tpu.memref_slice %arg18[%add3A_7, %dma_start3A_27] : memref<10000x128xf32, #tpu.memory_space<vmem_shared>> -> memref<208x128xf32, #tpu.memory_space<vmem_shared>>
      tpu.enqueue_dma source(%arg17 : memref<208x128xf32, #tpu.memory_space<vmem>>) target(%dma_start3A_28 : memref<208x128xf32, #tpu.memory_space<vmem_shared>>) target_semaphore(%run_scoped3A : memref<!tpu.dma_semaphore, #tpu.memory_space<semaphore_mem>>)
      %dma_wait3A = arith.constant 0 : i32
      %dma_wait3A_29 = tpu.memref_slice %arg18[%add3A_7, %dma_wait3A] : memref<10000x128xf32, #tpu.memory_space<vmem_shared>> -> memref<208x128xf32, #tpu.memory_space<vmem_shared>>
      %dma_wait3A_30 = arith.constant 0 : i32
      %dma_wait3A_31 = tpu.memref_slice %arg18[%add3A_7, %dma_wait3A_30] : memref<10000x128xf32, #tpu.memory_space<vmem_shared>> -> memref<208x128xf32, #tpu.memory_space<vmem_shared>>
      tpu.wait_dma2 semaphore(%run_scoped3A : memref<!tpu.dma_semaphore, #tpu.memory_space<semaphore_mem>>) src(%arg17 : memref<208x128xf32, #tpu.memory_space<vmem>>) dst(%dma_wait3A_31 : memref<208x128xf32, #tpu.memory_space<vmem_shared>>)
      tpu.yield
    }) : () -> ()
    %add3A_8 = arith.constant 208 : i32
    %add3A_9 = arith.addi %multiple_of3A, %add3A_8 : i32
    "tpu.region"() ({
      %run_scoped3A = tpu.sem_alloc : memref<!tpu.dma_semaphore, #tpu.memory_space<semaphore_mem>>
      %dma_start3A = arith.constant 0 : i32
      %dma_start3A_26 = tpu.memref_slice %arg18[%add3A_9, %dma_start3A] : memref<10000x128xf32, #tpu.memory_space<vmem_shared>> -> memref<208x128xf32, #tpu.memory_space<vmem_shared>>
      %dma_start3A_27 = arith.constant 0 : i32
      %dma_start3A_28 = tpu.memref_slice %arg18[%add3A_9, %dma_start3A_27] : memref<10000x128xf32, #tpu.memory_space<vmem_shared>> -> memref<208x128xf32, #tpu.memory_space<vmem_shared>>
      tpu.enqueue_dma source(%arg17 : memref<208x128xf32, #tpu.memory_space<vmem>>) target(%dma_start3A_28 : memref<208x128xf32, #tpu.memory_space<vmem_shared>>) target_semaphore(%run_scoped3A : memref<!tpu.dma_semaphore, #tpu.memory_space<semaphore_mem>>)
      %dma_wait3A = arith.constant 0 : i32
      %dma_wait3A_29 = tpu.memref_slice %arg18[%add3A_9, %dma_wait3A] : memref<10000x128xf32, #tpu.memory_space<vmem_shared>> -> memref<208x128xf32, #tpu.memory_space<vmem_shared>>
      %dma_wait3A_30 = arith.constant 0 : i32
      %dma_wait3A_31 = tpu.memref_slice %arg18[%add3A_9, %dma_wait3A_30] : memref<10000x128xf32, #tpu.memory_space<vmem_shared>> -> memref<208x128xf32, #tpu.memory_space<vmem_shared>>
      tpu.wait_dma2 semaphore(%run_scoped3A : memref<!tpu.dma_semaphore, #tpu.memory_space<semaphore_mem>>) src(%arg17 : memref<208x128xf32, #tpu.memory_space<vmem>>) dst(%dma_wait3A_31 : memref<208x128xf32, #tpu.memory_space<vmem_shared>>)
      tpu.yield
    }) : () -> ()
    %add3A_10 = arith.constant 416 : i32
    %add3A_11 = arith.addi %multiple_of3A, %add3A_10 : i32
    "tpu.region"() ({
      %run_scoped3A = tpu.sem_alloc : memref<!tpu.dma_semaphore, #tpu.memory_space<semaphore_mem>>
      %dma_start3A = arith.constant 0 : i32
      %dma_start3A_26 = tpu.memref_slice %arg18[%add3A_11, %dma_start3A] : memref<10000x128xf32, #tpu.memory_space<vmem_shared>> -> memref<208x128xf32, #tpu.memory_space<vmem_shared>>
      %dma_start3A_27 = arith.constant 0 : i32
      %dma_start3A_28 = tpu.memref_slice %arg18[%add3A_11, %dma_start3A_27] : memref<10000x128xf32, #tpu.memory_space<vmem_shared>> -> memref<208x128xf32, #tpu.memory_space<vmem_shared>>
      tpu.enqueue_dma source(%arg17 : memref<208x128xf32, #tpu.memory_space<vmem>>) target(%dma_start3A_28 : memref<208x128xf32, #tpu.memory_space<vmem_shared>>) target_semaphore(%run_scoped3A : memref<!tpu.dma_semaphore, #tpu.memory_space<semaphore_mem>>)
      %dma_wait3A = arith.constant 0 : i32
      %dma_wait3A_29 = tpu.memref_slice %arg18[%add3A_11, %dma_wait3A] : memref<10000x128xf32, #tpu.memory_space<vmem_shared>> -> memref<208x128xf32, #tpu.memory_space<vmem_shared>>
      %dma_wait3A_30 = arith.constant 0 : i32
      %dma_wait3A_31 = tpu.memref_slice %arg18[%add3A_11, %dma_wait3A_30] : memref<10000x128xf32, #tpu.memory_space<vmem_shared>> -> memref<208x128xf32, #tpu.memory_space<vmem_shared>>
      tpu.wait_dma2 semaphore(%run_scoped3A : memref<!tpu.dma_semaphore, #tpu.memory_space<semaphore_mem>>) src(%arg17 : memref<208x128xf32, #tpu.memory_space<vmem>>) dst(%dma_wait3A_31 : memref<208x128xf32, #tpu.memory_space<vmem_shared>>)
      tpu.yield
    }) : () -> ()
    %eq3A = arith.constant 0 : i32
    %eq3A_12 = arith.cmpi eq, %arg1, %eq3A : i32
    %convert_element_type3A = arith.extui %eq3A_12 : i1 to i32
    %cond3A = arith.constant 0 : i32
    %cond3A_13 = arith.cmpi ne, %convert_element_type3A, %cond3A : i32
    scf.if %cond3A_13 {
      "tpu.region"() ({
        %run_scoped3A = tpu.sem_alloc : memref<!tpu.dma_semaphore, #tpu.memory_space<semaphore_mem>>
        %dma_start3A = arith.constant 0 : i32
        %dma_start3A_26 = arith.constant 0 : i32
        %dma_start3A_27 = tpu.memref_slice %arg17[%dma_start3A, %dma_start3A_26] : memref<208x128xf32, #tpu.memory_space<vmem>> -> memref<16x128xf32, #tpu.memory_space<vmem>>
        %dma_start3A_28 = arith.constant 9984 : i32
        %dma_start3A_29 = arith.constant 0 : i32
        %dma_start3A_30 = tpu.memref_slice %arg18[%dma_start3A_28, %dma_start3A_29] : memref<10000x128xf32, #tpu.memory_space<vmem_shared>> -> memref<16x128xf32, #tpu.memory_space<vmem_shared>>
        %dma_start3A_31 = arith.constant 9984 : i32
        %dma_start3A_32 = arith.constant 0 : i32
        %dma_start3A_33 = tpu.memref_slice %arg18[%dma_start3A_31, %dma_start3A_32] : memref<10000x128xf32, #tpu.memory_space<vmem_shared>> -> memref<16x128xf32, #tpu.memory_space<vmem_shared>>
        %dma_start3A_34 = arith.constant 0 : i32
        %dma_start3A_35 = arith.constant 0 : i32
        %dma_start3A_36 = tpu.memref_slice %arg17[%dma_start3A_34, %dma_start3A_35] : memref<208x128xf32, #tpu.memory_space<vmem>> -> memref<16x128xf32, #tpu.memory_space<vmem>>
        tpu.enqueue_dma source(%dma_start3A_36 : memref<16x128xf32, #tpu.memory_space<vmem>>) target(%dma_start3A_33 : memref<16x128xf32, #tpu.memory_space<vmem_shared>>) target_semaphore(%run_scoped3A : memref<!tpu.dma_semaphore, #tpu.memory_space<semaphore_mem>>)
        %dma_wait3A = arith.constant 0 : i32
        %dma_wait3A_37 = arith.constant 0 : i32
        %dma_wait3A_38 = tpu.memref_slice %arg17[%dma_wait3A, %dma_wait3A_37] : memref<208x128xf32, #tpu.memory_space<vmem>> -> memref<16x128xf32, #tpu.memory_space<vmem>>
        %dma_wait3A_39 = arith.constant 9984 : i32
        %dma_wait3A_40 = arith.constant 0 : i32
        %dma_wait3A_41 = tpu.memref_slice %arg18[%dma_wait3A_39, %dma_wait3A_40] : memref<10000x128xf32, #tpu.memory_space<vmem_shared>> -> memref<16x128xf32, #tpu.memory_space<vmem_shared>>
        %dma_wait3A_42 = arith.constant 9984 : i32
        %dma_wait3A_43 = arith.constant 0 : i32
        %dma_wait3A_44 = tpu.memref_slice %arg18[%dma_wait3A_42, %dma_wait3A_43] : memref<10000x128xf32, #tpu.memory_space<vmem_shared>> -> memref<16x128xf32, #tpu.memory_space<vmem_shared>>
        %dma_wait3A_45 = arith.constant 0 : i32
        %dma_wait3A_46 = arith.constant 0 : i32
        %dma_wait3A_47 = tpu.memref_slice %arg17[%dma_wait3A_45, %dma_wait3A_46] : memref<208x128xf32, #tpu.memory_space<vmem>> -> memref<16x128xf32, #tpu.memory_space<vmem>>
        tpu.wait_dma2 semaphore(%run_scoped3A : memref<!tpu.dma_semaphore, #tpu.memory_space<semaphore_mem>>) src(%dma_wait3A_47 : memref<16x128xf32, #tpu.memory_space<vmem>>) dst(%dma_wait3A_44 : memref<16x128xf32, #tpu.memory_space<vmem_shared>>)
        tpu.yield
      }) : () -> ()
    } else {
    }
    %barrier3A = arith.constant 0 : index
    tpu.barrier barrier_id(%barrier3A)
    %scan3A_14 = arith.constant 0 : i32
    %scan3A_15 = arith.constant 0 : i32
    %scan3A_16 = arith.constant 125 : i32
    %scan3A_17 = arith.addi %scan3A_15, %scan3A_16 : i32
    %scan3A_18 = arith.constant 1 : i32
    scf.for %scan3A_26 = %scan3A_15 to %scan3A_17 step %scan3A_18  : i32 {
      %mul3A_27 = arith.constant 10000 : i32
      %mul3A_28 = arith.muli %arg1, %mul3A_27 : i32
      %mul3A_29 = arith.constant 80 : i32
      %mul3A_30 = arith.muli %scan3A_26, %mul3A_29 : i32
      %add3A_31 = arith.addi %mul3A_28, %mul3A_30 : i32
      %multiple_of3A_32 = tpu.assume_multiple %add3A_31, 8 : i32
      "tpu.region"() ({
        %run_scoped3A = tpu.sem_alloc : memref<!tpu.dma_semaphore, #tpu.memory_space<semaphore_mem>>
        %dma_start3A = tpu.memref_slice %arg4[%multiple_of3A_32] : memref<160000xi32, #tpu.memory_space<hbm>> -> memref<80xi32, #tpu.memory_space<hbm>>
        %dma_start3A_360 = tpu.memref_slice %arg4[%multiple_of3A_32] : memref<160000xi32, #tpu.memory_space<hbm>> -> memref<80xi32, #tpu.memory_space<hbm>>
        tpu.enqueue_dma source(%dma_start3A_360 : memref<80xi32, #tpu.memory_space<hbm>>) target(%arg10 : memref<80xi32, #tpu.memory_space<vmem>>) target_semaphore(%run_scoped3A : memref<!tpu.dma_semaphore, #tpu.memory_space<semaphore_mem>>)
        %dma_wait3A = tpu.memref_slice %arg4[%multiple_of3A_32] : memref<160000xi32, #tpu.memory_space<hbm>> -> memref<80xi32, #tpu.memory_space<hbm>>
        %dma_wait3A_361 = tpu.memref_slice %arg4[%multiple_of3A_32] : memref<160000xi32, #tpu.memory_space<hbm>> -> memref<80xi32, #tpu.memory_space<hbm>>
        tpu.wait_dma2 semaphore(%run_scoped3A : memref<!tpu.dma_semaphore, #tpu.memory_space<semaphore_mem>>) src(%dma_wait3A_361 : memref<80xi32, #tpu.memory_space<hbm>>) dst(%arg10 : memref<80xi32, #tpu.memory_space<vmem>>)
        tpu.yield
      }) : () -> ()
      "tpu.region"() ({
        %run_scoped3A = tpu.sem_alloc : memref<!tpu.dma_semaphore, #tpu.memory_space<semaphore_mem>>
        %dma_start3A = tpu.memref_slice %arg5[%multiple_of3A_32] : memref<160000xi32, #tpu.memory_space<hbm>> -> memref<80xi32, #tpu.memory_space<hbm>>
        %dma_start3A_360 = tpu.memref_slice %arg5[%multiple_of3A_32] : memref<160000xi32, #tpu.memory_space<hbm>> -> memref<80xi32, #tpu.memory_space<hbm>>
        tpu.enqueue_dma source(%dma_start3A_360 : memref<80xi32, #tpu.memory_space<hbm>>) target(%arg11 : memref<80xi32, #tpu.memory_space<vmem>>) target_semaphore(%run_scoped3A : memref<!tpu.dma_semaphore, #tpu.memory_space<semaphore_mem>>)
        %dma_wait3A = tpu.memref_slice %arg5[%multiple_of3A_32] : memref<160000xi32, #tpu.memory_space<hbm>> -> memref<80xi32, #tpu.memory_space<hbm>>
        %dma_wait3A_361 = tpu.memref_slice %arg5[%multiple_of3A_32] : memref<160000xi32, #tpu.memory_space<hbm>> -> memref<80xi32, #tpu.memory_space<hbm>>
        tpu.wait_dma2 semaphore(%run_scoped3A : memref<!tpu.dma_semaphore, #tpu.memory_space<semaphore_mem>>) src(%dma_wait3A_361 : memref<80xi32, #tpu.memory_space<hbm>>) dst(%arg11 : memref<80xi32, #tpu.memory_space<vmem>>)
        tpu.yield
      }) : () -> ()
      %mul3A_33 = arith.constant 8 : i32
      %mul3A_34 = arith.muli %multiple_of3A_32, %mul3A_33 : i32
      "tpu.region"() ({
        %run_scoped3A = tpu.sem_alloc : memref<!tpu.dma_semaphore, #tpu.memory_space<semaphore_mem>>
        %dma_start3A = arith.constant 0 : i32
        %dma_start3A_360 = tpu.memref_slice %arg12[%dma_start3A] : memref<656xf32, #tpu.memory_space<vmem>> -> memref<640xf32, #tpu.memory_space<vmem>>
        %dma_start3A_361 = tpu.memref_slice %arg6[%mul3A_34] : memref<1280000xf32, #tpu.memory_space<hbm>> -> memref<640xf32, #tpu.memory_space<hbm>>
        %dma_start3A_362 = arith.constant 0 : i32
        %dma_start3A_363 = tpu.memref_slice %arg12[%dma_start3A_362] : memref<656xf32, #tpu.memory_space<vmem>> -> memref<640xf32, #tpu.memory_space<vmem>>
        %dma_start3A_364 = tpu.memref_slice %arg6[%mul3A_34] : memref<1280000xf32, #tpu.memory_space<hbm>> -> memref<640xf32, #tpu.memory_space<hbm>>
        tpu.enqueue_dma source(%dma_start3A_364 : memref<640xf32, #tpu.memory_space<hbm>>) target(%dma_start3A_363 : memref<640xf32, #tpu.memory_space<vmem>>) target_semaphore(%run_scoped3A : memref<!tpu.dma_semaphore, #tpu.memory_space<semaphore_mem>>)
        %dma_wait3A = arith.constant 0 : i32
        %dma_wait3A_365 = tpu.memref_slice %arg12[%dma_wait3A] : memref<656xf32, #tpu.memory_space<vmem>> -> memref<640xf32, #tpu.memory_space<vmem>>
        %dma_wait3A_366 = tpu.memref_slice %arg6[%mul3A_34] : memref<1280000xf32, #tpu.memory_space<hbm>> -> memref<640xf32, #tpu.memory_space<hbm>>
        %dma_wait3A_367 = arith.constant 0 : i32
        %dma_wait3A_368 = tpu.memref_slice %arg12[%dma_wait3A_367] : memref<656xf32, #tpu.memory_space<vmem>> -> memref<640xf32, #tpu.memory_space<vmem>>
        %dma_wait3A_369 = tpu.memref_slice %arg6[%mul3A_34] : memref<1280000xf32, #tpu.memory_space<hbm>> -> memref<640xf32, #tpu.memory_space<hbm>>
        tpu.wait_dma2 semaphore(%run_scoped3A : memref<!tpu.dma_semaphore, #tpu.memory_space<semaphore_mem>>) src(%dma_wait3A_369 : memref<640xf32, #tpu.memory_space<hbm>>) dst(%dma_wait3A_368 : memref<640xf32, #tpu.memory_space<vmem>>)
        tpu.yield
      }) : () -> ()
      %eq3A_35 = arith.constant 0 : i32
      %eq3A_36 = arith.cmpi eq, %arg0, %eq3A_35 : i32
      %convert_element_type3A_37 = arith.extui %eq3A_36 : i1 to i32
      %cond3A_38 = arith.constant 0 : i32
      %cond3A_39 = arith.cmpi ne, %convert_element_type3A_37, %cond3A_38 : i32
      scf.if %cond3A_39 {
        %dma_start3A = arith.constant 0 : i32
        %dma_start3A_360 = arith.constant 0 : i32
        %dma_start3A_361 = tpu.memref_slice %arg2[%dma_start3A, %dma_start3A_360] : memref<10000x128xf32, #tpu.memory_space<hbm>> -> memref<10000x128xf32, #tpu.memory_space<hbm>>
        tpu.enqueue_indirect_dma source(%dma_start3A_361 : memref<10000x128xf32, #tpu.memory_space<hbm>>) target(%arg13 : memref<80x128xf32, #tpu.memory_space<vmem>>) offsets(%arg10 : memref<80xi32, #tpu.memory_space<vmem>>) semaphore(%arg19 : memref<!tpu.dma_semaphore, #tpu.memory_space<semaphore_mem>>)
        %dma_wait3A = arith.constant 0 : i32
        %dma_wait3A_362 = arith.constant 0 : i32
        %dma_wait3A_363 = tpu.memref_slice %arg2[%dma_wait3A, %dma_wait3A_362] : memref<10000x128xf32, #tpu.memory_space<hbm>> -> memref<10000x128xf32, #tpu.memory_space<hbm>>
        tpu.wait_indirect_dma semaphore(%arg19 : memref<!tpu.dma_semaphore, #tpu.memory_space<semaphore_mem>>) src(%dma_wait3A_363 : memref<10000x128xf32, #tpu.memory_space<hbm>>) dst(%arg13 : memref<80x128xf32, #tpu.memory_space<vmem>>)
      } else {
      }
      %eq3A_40 = arith.constant 1 : i32
      %eq3A_41 = arith.cmpi eq, %arg0, %eq3A_40 : i32
      %convert_element_type3A_42 = arith.extui %eq3A_41 : i1 to i32
      %cond3A_43 = arith.constant 0 : i32
      %cond3A_44 = arith.cmpi ne, %convert_element_type3A_42, %cond3A_43 : i32
      scf.if %cond3A_44 {
        %dma_start3A = arith.constant 0 : i32
        %dma_start3A_360 = arith.constant 0 : i32
        %dma_start3A_361 = tpu.memref_slice %arg3[%dma_start3A, %dma_start3A_360] : memref<10000x128xf32, #tpu.memory_space<hbm>> -> memref<10000x128xf32, #tpu.memory_space<hbm>>
        tpu.enqueue_indirect_dma source(%dma_start3A_361 : memref<10000x128xf32, #tpu.memory_space<hbm>>) target(%arg13 : memref<80x128xf32, #tpu.memory_space<vmem>>) offsets(%arg10 : memref<80xi32, #tpu.memory_space<vmem>>) semaphore(%arg19 : memref<!tpu.dma_semaphore, #tpu.memory_space<semaphore_mem>>)
        %dma_wait3A = arith.constant 0 : i32
        %dma_wait3A_362 = arith.constant 0 : i32
        %dma_wait3A_363 = tpu.memref_slice %arg3[%dma_wait3A, %dma_wait3A_362] : memref<10000x128xf32, #tpu.memory_space<hbm>> -> memref<10000x128xf32, #tpu.memory_space<hbm>>
        tpu.wait_indirect_dma semaphore(%arg19 : memref<!tpu.dma_semaphore, #tpu.memory_space<semaphore_mem>>) src(%dma_wait3A_363 : memref<10000x128xf32, #tpu.memory_space<hbm>>) dst(%arg13 : memref<80x128xf32, #tpu.memory_space<vmem>>)
      } else {
      }
      %get3A = arith.constant 0 : i32
      %get3A_45 = arith.index_cast %get3A : i32 to index
      %get3A_46 = arith.constant 0 : index
      %get3A_47 = tpu.vector_load %arg15[%get3A_45, %get3A_46] {strides = array<i32>} : memref<7x128xf32, #tpu.memory_space<vmem>>, vector<1x16xf32>,
      %get3A_48 = vector.shape_cast %get3A_47 : vector<1x16xf32> to vector<16xf32>
      %get3A_49 = arith.constant 0 : i32
      %get3A_50 = arith.index_cast %get3A_49 : i32 to index
      %get3A_51 = arith.constant 16 : index
      %get3A_52 = tpu.vector_load %arg15[%get3A_50, %get3A_51] {strides = array<i32>} : memref<7x128xf32, #tpu.memory_space<vmem>>, vector<1x16xf32>,
      %get3A_53 = vector.shape_cast %get3A_52 : vector<1x16xf32> to vector<16xf32>
      %get3A_54 = arith.constant 0 : i32
      %get3A_55 = arith.index_cast %get3A_54 : i32 to index
      %get3A_56 = arith.constant 32 : index
      %get3A_57 = tpu.vector_load %arg15[%get3A_55, %get3A_56] {strides = array<i32>} : memref<7x128xf32, #tpu.memory_space<vmem>>, vector<1x16xf32>,
      %get3A_58 = vector.shape_cast %get3A_57 : vector<1x16xf32> to vector<16xf32>
      %get3A_59 = arith.constant 0 : i32
      %get3A_60 = arith.index_cast %get3A_59 : i32 to index
      %get3A_61 = arith.constant 48 : index
      %get3A_62 = tpu.vector_load %arg15[%get3A_60, %get3A_61] {strides = array<i32>} : memref<7x128xf32, #tpu.memory_space<vmem>>, vector<1x16xf32>,
      %get3A_63 = vector.shape_cast %get3A_62 : vector<1x16xf32> to vector<16xf32>
      %get3A_64 = arith.constant 1 : i32
      %get3A_65 = arith.index_cast %get3A_64 : i32 to index
      %get3A_66 = arith.constant 0 : index
      %get3A_67 = tpu.vector_load %arg15[%get3A_65, %get3A_66] {strides = array<i32>} : memref<7x128xf32, #tpu.memory_space<vmem>>, vector<1x16xf32>,
      %get3A_68 = vector.shape_cast %get3A_67 : vector<1x16xf32> to vector<16xf32>
      %get3A_69 = arith.constant 1 : i32
      %get3A_70 = arith.index_cast %get3A_69 : i32 to index
      %get3A_71 = arith.constant 16 : index
      %get3A_72 = tpu.vector_load %arg15[%get3A_70, %get3A_71] {strides = array<i32>} : memref<7x128xf32, #tpu.memory_space<vmem>>, vector<1x16xf32>,
      %get3A_73 = vector.shape_cast %get3A_72 : vector<1x16xf32> to vector<16xf32>
      %get3A_74 = arith.constant 1 : i32
      %get3A_75 = arith.index_cast %get3A_74 : i32 to index
      %get3A_76 = arith.constant 32 : index
      %get3A_77 = tpu.vector_load %arg15[%get3A_75, %get3A_76] {strides = array<i32>} : memref<7x128xf32, #tpu.memory_space<vmem>>, vector<1x16xf32>,
      %get3A_78 = vector.shape_cast %get3A_77 : vector<1x16xf32> to vector<16xf32>
      %get3A_79 = arith.constant 1 : i32
      %get3A_80 = arith.index_cast %get3A_79 : i32 to index
      %get3A_81 = arith.constant 48 : index
      %get3A_82 = tpu.vector_load %arg15[%get3A_80, %get3A_81] {strides = array<i32>} : memref<7x128xf32, #tpu.memory_space<vmem>>, vector<1x16xf32>,
      %get3A_83 = vector.shape_cast %get3A_82 : vector<1x16xf32> to vector<16xf32>
      %get3A_84 = arith.constant 2 : i32
      %get3A_85 = arith.index_cast %get3A_84 : i32 to index
      %get3A_86 = arith.constant 0 : index
      %get3A_87 = tpu.vector_load %arg15[%get3A_85, %get3A_86] {strides = array<i32>} : memref<7x128xf32, #tpu.memory_space<vmem>>, vector<1x16xf32>,
      %get3A_88 = vector.shape_cast %get3A_87 : vector<1x16xf32> to vector<16xf32>
      %get3A_89 = arith.constant 2 : i32
      %get3A_90 = arith.index_cast %get3A_89 : i32 to index
      %get3A_91 = arith.constant 16 : index
      %get3A_92 = tpu.vector_load %arg15[%get3A_90, %get3A_91] {strides = array<i32>} : memref<7x128xf32, #tpu.memory_space<vmem>>, vector<1x16xf32>,
      %get3A_93 = vector.shape_cast %get3A_92 : vector<1x16xf32> to vector<16xf32>
      %get3A_94 = arith.constant 2 : i32
      %get3A_95 = arith.index_cast %get3A_94 : i32 to index
      %get3A_96 = arith.constant 32 : index
      %get3A_97 = tpu.vector_load %arg15[%get3A_95, %get3A_96] {strides = array<i32>} : memref<7x128xf32, #tpu.memory_space<vmem>>, vector<1x16xf32>,
      %get3A_98 = vector.shape_cast %get3A_97 : vector<1x16xf32> to vector<16xf32>
      %get3A_99 = arith.constant 2 : i32
      %get3A_100 = arith.index_cast %get3A_99 : i32 to index
      %get3A_101 = arith.constant 48 : index
      %get3A_102 = tpu.vector_load %arg15[%get3A_100, %get3A_101] {strides = array<i32>} : memref<7x128xf32, #tpu.memory_space<vmem>>, vector<1x16xf32>,
      %get3A_103 = vector.shape_cast %get3A_102 : vector<1x16xf32> to vector<16xf32>
      %get3A_104 = arith.constant 3 : i32
      %get3A_105 = arith.index_cast %get3A_104 : i32 to index
      %get3A_106 = arith.constant 0 : index
      %get3A_107 = tpu.vector_load %arg15[%get3A_105, %get3A_106] {strides = array<i32>} : memref<7x128xf32, #tpu.memory_space<vmem>>, vector<1x16xf32>,
      %get3A_108 = vector.shape_cast %get3A_107 : vector<1x16xf32> to vector<16xf32>
      %get3A_109 = arith.constant 3 : i32
      %get3A_110 = arith.index_cast %get3A_109 : i32 to index
      %get3A_111 = arith.constant 16 : index
      %get3A_112 = tpu.vector_load %arg15[%get3A_110, %get3A_111] {strides = array<i32>} : memref<7x128xf32, #tpu.memory_space<vmem>>, vector<1x16xf32>,
      %get3A_113 = vector.shape_cast %get3A_112 : vector<1x16xf32> to vector<16xf32>
      %get3A_114 = arith.constant 3 : i32
      %get3A_115 = arith.index_cast %get3A_114 : i32 to index
      %get3A_116 = arith.constant 32 : index
      %get3A_117 = tpu.vector_load %arg15[%get3A_115, %get3A_116] {strides = array<i32>} : memref<7x128xf32, #tpu.memory_space<vmem>>, vector<1x16xf32>,
      %get3A_118 = vector.shape_cast %get3A_117 : vector<1x16xf32> to vector<16xf32>
      %get3A_119 = arith.constant 3 : i32
      %get3A_120 = arith.index_cast %get3A_119 : i32 to index
      %get3A_121 = arith.constant 48 : index
      %get3A_122 = tpu.vector_load %arg15[%get3A_120, %get3A_121] {strides = array<i32>} : memref<7x128xf32, #tpu.memory_space<vmem>>, vector<1x16xf32>,
      %get3A_123 = vector.shape_cast %get3A_122 : vector<1x16xf32> to vector<16xf32>
      %get3A_124 = arith.constant 4 : i32
      %get3A_125 = arith.index_cast %get3A_124 : i32 to index
      %get3A_126 = arith.constant 0 : index
      %get3A_127 = tpu.vector_load %arg15[%get3A_125, %get3A_126] {strides = array<i32>} : memref<7x128xf32, #tpu.memory_space<vmem>>, vector<1x16xf32>,
      %get3A_128 = vector.shape_cast %get3A_127 : vector<1x16xf32> to vector<16xf32>
      %get3A_129 = arith.constant 4 : i32
      %get3A_130 = arith.index_cast %get3A_129 : i32 to index
      %get3A_131 = arith.constant 16 : index
      %get3A_132 = tpu.vector_load %arg15[%get3A_130, %get3A_131] {strides = array<i32>} : memref<7x128xf32, #tpu.memory_space<vmem>>, vector<1x16xf32>,
      %get3A_133 = vector.shape_cast %get3A_132 : vector<1x16xf32> to vector<16xf32>
      %get3A_134 = arith.constant 4 : i32
      %get3A_135 = arith.index_cast %get3A_134 : i32 to index
      %get3A_136 = arith.constant 32 : index
      %get3A_137 = tpu.vector_load %arg15[%get3A_135, %get3A_136] {strides = array<i32>} : memref<7x128xf32, #tpu.memory_space<vmem>>, vector<1x16xf32>,
      %get3A_138 = vector.shape_cast %get3A_137 : vector<1x16xf32> to vector<16xf32>
      %get3A_139 = arith.constant 4 : i32
      %get3A_140 = arith.index_cast %get3A_139 : i32 to index
      %get3A_141 = arith.constant 48 : index
      %get3A_142 = tpu.vector_load %arg15[%get3A_140, %get3A_141] {strides = array<i32>} : memref<7x128xf32, #tpu.memory_space<vmem>>, vector<1x16xf32>,
      %get3A_143 = vector.shape_cast %get3A_142 : vector<1x16xf32> to vector<16xf32>
      %get3A_144 = arith.constant 5 : i32
      %get3A_145 = arith.index_cast %get3A_144 : i32 to index
      %get3A_146 = arith.constant 0 : index
      %get3A_147 = tpu.vector_load %arg15[%get3A_145, %get3A_146] {strides = array<i32>} : memref<7x128xf32, #tpu.memory_space<vmem>>, vector<1x16xf32>,
      %get3A_148 = vector.shape_cast %get3A_147 : vector<1x16xf32> to vector<16xf32>
      %get3A_149 = arith.constant 5 : i32
      %get3A_150 = arith.index_cast %get3A_149 : i32 to index
      %get3A_151 = arith.constant 16 : index
      %get3A_152 = tpu.vector_load %arg15[%get3A_150, %get3A_151] {strides = array<i32>} : memref<7x128xf32, #tpu.memory_space<vmem>>, vector<1x16xf32>,
      %get3A_153 = vector.shape_cast %get3A_152 : vector<1x16xf32> to vector<16xf32>
      %get3A_154 = arith.constant 5 : i32
      %get3A_155 = arith.index_cast %get3A_154 : i32 to index
      %get3A_156 = arith.constant 32 : index
      %get3A_157 = tpu.vector_load %arg15[%get3A_155, %get3A_156] {strides = array<i32>} : memref<7x128xf32, #tpu.memory_space<vmem>>, vector<1x16xf32>,
      %get3A_158 = vector.shape_cast %get3A_157 : vector<1x16xf32> to vector<16xf32>
      %get3A_159 = arith.constant 5 : i32
      %get3A_160 = arith.index_cast %get3A_159 : i32 to index
      %get3A_161 = arith.constant 48 : index
      %get3A_162 = tpu.vector_load %arg15[%get3A_160, %get3A_161] {strides = array<i32>} : memref<7x128xf32, #tpu.memory_space<vmem>>, vector<1x16xf32>,
      %get3A_163 = vector.shape_cast %get3A_162 : vector<1x16xf32> to vector<16xf32>
      %get3A_164 = arith.constant 6 : i32
      %get3A_165 = arith.index_cast %get3A_164 : i32 to index
      %get3A_166 = arith.constant 0 : index
      %get3A_167 = tpu.vector_load %arg15[%get3A_165, %get3A_166] {strides = array<i32>} : memref<7x128xf32, #tpu.memory_space<vmem>>, vector<1x16xf32>,
      %get3A_168 = vector.shape_cast %get3A_167 : vector<1x16xf32> to vector<16xf32>
      %get3A_169 = arith.constant 6 : i32
      %get3A_170 = arith.index_cast %get3A_169 : i32 to index
      %get3A_171 = arith.constant 16 : index
      %get3A_172 = tpu.vector_load %arg15[%get3A_170, %get3A_171] {strides = array<i32>} : memref<7x128xf32, #tpu.memory_space<vmem>>, vector<1x16xf32>,
      %get3A_173 = vector.shape_cast %get3A_172 : vector<1x16xf32> to vector<16xf32>
      %get3A_174 = arith.constant 6 : i32
      %get3A_175 = arith.index_cast %get3A_174 : i32 to index
      %get3A_176 = arith.constant 32 : index
      %get3A_177 = tpu.vector_load %arg15[%get3A_175, %get3A_176] {strides = array<i32>} : memref<7x128xf32, #tpu.memory_space<vmem>>, vector<1x16xf32>,
      %get3A_178 = vector.shape_cast %get3A_177 : vector<1x16xf32> to vector<16xf32>
      %get3A_179 = arith.constant 6 : i32
      %get3A_180 = arith.index_cast %get3A_179 : i32 to index
      %get3A_181 = arith.constant 48 : index
      %get3A_182 = tpu.vector_load %arg15[%get3A_180, %get3A_181] {strides = array<i32>} : memref<7x128xf32, #tpu.memory_space<vmem>>, vector<1x16xf32>,
      %get3A_183 = vector.shape_cast %get3A_182 : vector<1x16xf32> to vector<16xf32>
      %get3A_184 = arith.constant 0 : index
      %get3A_185 = tpu.vector_load %arg16[%get3A_184] {strides = array<i32>} : memref<128xf32, #tpu.memory_space<vmem>>, vector<16xf32>,
      %get3A_186 = vector.shape_cast %get3A_185 : vector<16xf32> to vector<16xf32>
      %get3A_187 = arith.constant 16 : index
      %get3A_188 = tpu.vector_load %arg16[%get3A_187] {strides = array<i32>} : memref<128xf32, #tpu.memory_space<vmem>>, vector<16xf32>,
      %get3A_189 = vector.shape_cast %get3A_188 : vector<16xf32> to vector<16xf32>
      %get3A_190 = arith.constant 32 : index
      %get3A_191 = tpu.vector_load %arg16[%get3A_190] {strides = array<i32>} : memref<128xf32, #tpu.memory_space<vmem>>, vector<16xf32>,
      %get3A_192 = vector.shape_cast %get3A_191 : vector<16xf32> to vector<16xf32>
      %get3A_193 = arith.constant 48 : index
      %get3A_194 = tpu.vector_load %arg16[%get3A_193] {strides = array<i32>} : memref<128xf32, #tpu.memory_space<vmem>>, vector<16xf32>,
      %get3A_195 = vector.shape_cast %get3A_194 : vector<16xf32> to vector<16xf32>
      %scan3A_196 = arith.constant 0 : i32
      %scan3A_197 = arith.constant 0 : i32
      %scan3A_198 = arith.constant 80 : i32
      %scan3A_199 = arith.addi %scan3A_197, %scan3A_198 : i32
      %scan3A_200 = arith.constant 1 : i32
      scf.for %scan3A_360 = %scan3A_197 to %scan3A_199 step %scan3A_200  : i32 {
        %mul3A_361 = arith.constant 8 : i32
        %mul3A_362 = arith.muli %scan3A_360, %mul3A_361 : i32
        %get3A_363 = arith.index_cast %mul3A_362 : i32 to index
        %get3A_364 = tpu.vector_load %arg12[%get3A_363] {strides = array<i32>} : memref<656xf32, #tpu.memory_space<vmem>>, vector<16xf32>,
        %get3A_365 = vector.shape_cast %get3A_364 : vector<16xf32> to vector<16xf32>
        %slice3A = vector.extract_strided_slice %get3A_365 {offsets = [0], sizes = [1], strides = [1]} : vector<16xf32> to vector<1xf32>
        %squeeze3A = vector.extract %slice3A[0] : f32 from vector<1xf32>
        %slice3A_366 = vector.extract_strided_slice %get3A_365 {offsets = [1], sizes = [1], strides = [1]} : vector<16xf32> to vector<1xf32>
        %squeeze3A_367 = vector.extract %slice3A_366[0] : f32 from vector<1xf32>
        %slice3A_368 = vector.extract_strided_slice %get3A_365 {offsets = [2], sizes = [1], strides = [1]} : vector<16xf32> to vector<1xf32>
        %squeeze3A_369 = vector.extract %slice3A_368[0] : f32 from vector<1xf32>
        %slice3A_370 = vector.extract_strided_slice %get3A_365 {offsets = [3], sizes = [1], strides = [1]} : vector<16xf32> to vector<1xf32>
        %squeeze3A_371 = vector.extract %slice3A_370[0] : f32 from vector<1xf32>
        %slice3A_372 = vector.extract_strided_slice %get3A_365 {offsets = [4], sizes = [1], strides = [1]} : vector<16xf32> to vector<1xf32>
        %squeeze3A_373 = vector.extract %slice3A_372[0] : f32 from vector<1xf32>
        %slice3A_374 = vector.extract_strided_slice %get3A_365 {offsets = [5], sizes = [1], strides = [1]} : vector<16xf32> to vector<1xf32>
        %squeeze3A_375 = vector.extract %slice3A_374[0] : f32 from vector<1xf32>
        %slice3A_376 = vector.extract_strided_slice %get3A_365 {offsets = [6], sizes = [1], strides = [1]} : vector<16xf32> to vector<1xf32>
        %squeeze3A_377 = vector.extract %slice3A_376[0] : f32 from vector<1xf32>
        %mul3A_378 = vector.broadcast %squeeze3A : f32 to vector<16xf32>
        %mul3A_379 = arith.mulf %mul3A_378, %get3A_48 : vector<16xf32>
        %add3A_380 = arith.addf %get3A_186, %mul3A_379 : vector<16xf32>
        %mul3A_381 = vector.broadcast %squeeze3A_367 : f32 to vector<16xf32>
        %mul3A_382 = arith.mulf %mul3A_381, %get3A_68 : vector<16xf32>
        %add3A_383 = arith.addf %add3A_380, %mul3A_382 : vector<16xf32>
        %mul3A_384 = vector.broadcast %squeeze3A_369 : f32 to vector<16xf32>
        %mul3A_385 = arith.mulf %mul3A_384, %get3A_88 : vector<16xf32>
        %add3A_386 = arith.addf %add3A_383, %mul3A_385 : vector<16xf32>
        %mul3A_387 = vector.broadcast %squeeze3A_371 : f32 to vector<16xf32>
        %mul3A_388 = arith.mulf %mul3A_387, %get3A_108 : vector<16xf32>
        %add3A_389 = arith.addf %add3A_386, %mul3A_388 : vector<16xf32>
        %mul3A_390 = vector.broadcast %squeeze3A_373 : f32 to vector<16xf32>
        %mul3A_391 = arith.mulf %mul3A_390, %get3A_128 : vector<16xf32>
        %add3A_392 = arith.addf %add3A_389, %mul3A_391 : vector<16xf32>
        %mul3A_393 = vector.broadcast %squeeze3A_375 : f32 to vector<16xf32>
        %mul3A_394 = arith.mulf %mul3A_393, %get3A_148 : vector<16xf32>
        %add3A_395 = arith.addf %add3A_392, %mul3A_394 : vector<16xf32>
        %mul3A_396 = vector.broadcast %squeeze3A_377 : f32 to vector<16xf32>
        %mul3A_397 = arith.mulf %mul3A_396, %get3A_168 : vector<16xf32>
        %add3A_398 = arith.addf %add3A_395, %mul3A_397 : vector<16xf32>
        %get3A_399 = arith.index_cast %scan3A_360 : i32 to index
        %get3A_400 = arith.constant 0 : index
        %get3A_401 = tpu.vector_load %arg13[%get3A_399, %get3A_400] {strides = array<i32>} : memref<80x128xf32, #tpu.memory_space<vmem>>, vector<1x16xf32>,
        %get3A_402 = vector.shape_cast %get3A_401 : vector<1x16xf32> to vector<16xf32>
        %add3A_403 = arith.addf %get3A_402, %add3A_398 : vector<16xf32>
        %max3A = arith.constant 0.000000e+00 : f32
        %max3A_404 = vector.broadcast %max3A : f32 to vector<16xf32>
        %max3A_405 = arith.maximumf %add3A_403, %max3A_404 : vector<16xf32>
        %swap3A = arith.index_cast %scan3A_360 : i32 to index
        %swap3A_406 = arith.constant 0 : index
        %swap3A_407 = tpu.vector_load %arg14[%swap3A, %swap3A_406] {strides = array<i32>} : memref<80x128xf32, #tpu.memory_space<vmem>>, vector<1x16xf32>,
        %swap3A_408 = vector.shape_cast %swap3A_407 : vector<1x16xf32> to vector<16xf32>
        %swap3A_409 = vector.shape_cast %max3A_405 : vector<16xf32> to vector<1x16xf32>
        tpu.vector_store %arg14[%swap3A, %swap3A_406], %swap3A_409 {strides = array<i32>} : memref<80x128xf32, #tpu.memory_space<vmem>>, vector<1x16xf32>,
        %mul3A_410 = vector.broadcast %squeeze3A : f32 to vector<16xf32>
        %mul3A_411 = arith.mulf %mul3A_410, %get3A_53 : vector<16xf32>
        %add3A_412 = arith.addf %get3A_189, %mul3A_411 : vector<16xf32>
        %mul3A_413 = vector.broadcast %squeeze3A_367 : f32 to vector<16xf32>
        %mul3A_414 = arith.mulf %mul3A_413, %get3A_73 : vector<16xf32>
        %add3A_415 = arith.addf %add3A_412, %mul3A_414 : vector<16xf32>
        %mul3A_416 = vector.broadcast %squeeze3A_369 : f32 to vector<16xf32>
        %mul3A_417 = arith.mulf %mul3A_416, %get3A_93 : vector<16xf32>
        %add3A_418 = arith.addf %add3A_415, %mul3A_417 : vector<16xf32>
        %mul3A_419 = vector.broadcast %squeeze3A_371 : f32 to vector<16xf32>
        %mul3A_420 = arith.mulf %mul3A_419, %get3A_113 : vector<16xf32>
        %add3A_421 = arith.addf %add3A_418, %mul3A_420 : vector<16xf32>
        %mul3A_422 = vector.broadcast %squeeze3A_373 : f32 to vector<16xf32>
        %mul3A_423 = arith.mulf %mul3A_422, %get3A_133 : vector<16xf32>
        %add3A_424 = arith.addf %add3A_421, %mul3A_423 : vector<16xf32>
        %mul3A_425 = vector.broadcast %squeeze3A_375 : f32 to vector<16xf32>
        %mul3A_426 = arith.mulf %mul3A_425, %get3A_153 : vector<16xf32>
        %add3A_427 = arith.addf %add3A_424, %mul3A_426 : vector<16xf32>
        %mul3A_428 = vector.broadcast %squeeze3A_377 : f32 to vector<16xf32>
        %mul3A_429 = arith.mulf %mul3A_428, %get3A_173 : vector<16xf32>
        %add3A_430 = arith.addf %add3A_427, %mul3A_429 : vector<16xf32>
        %get3A_431 = arith.index_cast %scan3A_360 : i32 to index
        %get3A_432 = arith.constant 16 : index
        %get3A_433 = tpu.vector_load %arg13[%get3A_431, %get3A_432] {strides = array<i32>} : memref<80x128xf32, #tpu.memory_space<vmem>>, vector<1x16xf32>,
        %get3A_434 = vector.shape_cast %get3A_433 : vector<1x16xf32> to vector<16xf32>
        %add3A_435 = arith.addf %get3A_434, %add3A_430 : vector<16xf32>
        %max3A_436 = arith.constant 0.000000e+00 : f32
        %max3A_437 = vector.broadcast %max3A_436 : f32 to vector<16xf32>
        %max3A_438 = arith.maximumf %add3A_435, %max3A_437 : vector<16xf32>
        %swap3A_439 = arith.index_cast %scan3A_360 : i32 to index
        %swap3A_440 = arith.constant 16 : index
        %swap3A_441 = tpu.vector_load %arg14[%swap3A_439, %swap3A_440] {strides = array<i32>} : memref<80x128xf32, #tpu.memory_space<vmem>>, vector<1x16xf32>,
        %swap3A_442 = vector.shape_cast %swap3A_441 : vector<1x16xf32> to vector<16xf32>
        %swap3A_443 = vector.shape_cast %max3A_438 : vector<16xf32> to vector<1x16xf32>
        tpu.vector_store %arg14[%swap3A_439, %swap3A_440], %swap3A_443 {strides = array<i32>} : memref<80x128xf32, #tpu.memory_space<vmem>>, vector<1x16xf32>,
        %mul3A_444 = vector.broadcast %squeeze3A : f32 to vector<16xf32>
        %mul3A_445 = arith.mulf %mul3A_444, %get3A_58 : vector<16xf32>
        %add3A_446 = arith.addf %get3A_192, %mul3A_445 : vector<16xf32>
        %mul3A_447 = vector.broadcast %squeeze3A_367 : f32 to vector<16xf32>
        %mul3A_448 = arith.mulf %mul3A_447, %get3A_78 : vector<16xf32>
        %add3A_449 = arith.addf %add3A_446, %mul3A_448 : vector<16xf32>
        %mul3A_450 = vector.broadcast %squeeze3A_369 : f32 to vector<16xf32>
        %mul3A_451 = arith.mulf %mul3A_450, %get3A_98 : vector<16xf32>
        %add3A_452 = arith.addf %add3A_449, %mul3A_451 : vector<16xf32>
        %mul3A_453 = vector.broadcast %squeeze3A_371 : f32 to vector<16xf32>
        %mul3A_454 = arith.mulf %mul3A_453, %get3A_118 : vector<16xf32>
        %add3A_455 = arith.addf %add3A_452, %mul3A_454 : vector<16xf32>
        %mul3A_456 = vector.broadcast %squeeze3A_373 : f32 to vector<16xf32>
        %mul3A_457 = arith.mulf %mul3A_456, %get3A_138 : vector<16xf32>
        %add3A_458 = arith.addf %add3A_455, %mul3A_457 : vector<16xf32>
        %mul3A_459 = vector.broadcast %squeeze3A_375 : f32 to vector<16xf32>
        %mul3A_460 = arith.mulf %mul3A_459, %get3A_158 : vector<16xf32>
        %add3A_461 = arith.addf %add3A_458, %mul3A_460 : vector<16xf32>
        %mul3A_462 = vector.broadcast %squeeze3A_377 : f32 to vector<16xf32>
        %mul3A_463 = arith.mulf %mul3A_462, %get3A_178 : vector<16xf32>
        %add3A_464 = arith.addf %add3A_461, %mul3A_463 : vector<16xf32>
        %get3A_465 = arith.index_cast %scan3A_360 : i32 to index
        %get3A_466 = arith.constant 32 : index
        %get3A_467 = tpu.vector_load %arg13[%get3A_465, %get3A_466] {strides = array<i32>} : memref<80x128xf32, #tpu.memory_space<vmem>>, vector<1x16xf32>,
        %get3A_468 = vector.shape_cast %get3A_467 : vector<1x16xf32> to vector<16xf32>
        %add3A_469 = arith.addf %get3A_468, %add3A_464 : vector<16xf32>
        %max3A_470 = arith.constant 0.000000e+00 : f32
        %max3A_471 = vector.broadcast %max3A_470 : f32 to vector<16xf32>
        %max3A_472 = arith.maximumf %add3A_469, %max3A_471 : vector<16xf32>
        %swap3A_473 = arith.index_cast %scan3A_360 : i32 to index
        %swap3A_474 = arith.constant 32 : index
        %swap3A_475 = tpu.vector_load %arg14[%swap3A_473, %swap3A_474] {strides = array<i32>} : memref<80x128xf32, #tpu.memory_space<vmem>>, vector<1x16xf32>,
        %swap3A_476 = vector.shape_cast %swap3A_475 : vector<1x16xf32> to vector<16xf32>
        %swap3A_477 = vector.shape_cast %max3A_472 : vector<16xf32> to vector<1x16xf32>
        tpu.vector_store %arg14[%swap3A_473, %swap3A_474], %swap3A_477 {strides = array<i32>} : memref<80x128xf32, #tpu.memory_space<vmem>>, vector<1x16xf32>,
        %mul3A_478 = vector.broadcast %squeeze3A : f32 to vector<16xf32>
        %mul3A_479 = arith.mulf %mul3A_478, %get3A_63 : vector<16xf32>
        %add3A_480 = arith.addf %get3A_195, %mul3A_479 : vector<16xf32>
        %mul3A_481 = vector.broadcast %squeeze3A_367 : f32 to vector<16xf32>
        %mul3A_482 = arith.mulf %mul3A_481, %get3A_83 : vector<16xf32>
        %add3A_483 = arith.addf %add3A_480, %mul3A_482 : vector<16xf32>
        %mul3A_484 = vector.broadcast %squeeze3A_369 : f32 to vector<16xf32>
        %mul3A_485 = arith.mulf %mul3A_484, %get3A_103 : vector<16xf32>
        %add3A_486 = arith.addf %add3A_483, %mul3A_485 : vector<16xf32>
        %mul3A_487 = vector.broadcast %squeeze3A_371 : f32 to vector<16xf32>
        %mul3A_488 = arith.mulf %mul3A_487, %get3A_123 : vector<16xf32>
        %add3A_489 = arith.addf %add3A_486, %mul3A_488 : vector<16xf32>
        %mul3A_490 = vector.broadcast %squeeze3A_373 : f32 to vector<16xf32>
        %mul3A_491 = arith.mulf %mul3A_490, %get3A_143 : vector<16xf32>
        %add3A_492 = arith.addf %add3A_489, %mul3A_491 : vector<16xf32>
        %mul3A_493 = vector.broadcast %squeeze3A_375 : f32 to vector<16xf32>
        %mul3A_494 = arith.mulf %mul3A_493, %get3A_163 : vector<16xf32>
        %add3A_495 = arith.addf %add3A_492, %mul3A_494 : vector<16xf32>
        %mul3A_496 = vector.broadcast %squeeze3A_377 : f32 to vector<16xf32>
        %mul3A_497 = arith.mulf %mul3A_496, %get3A_183 : vector<16xf32>
        %add3A_498 = arith.addf %add3A_495, %mul3A_497 : vector<16xf32>
        %get3A_499 = arith.index_cast %scan3A_360 : i32 to index
        %get3A_500 = arith.constant 48 : index
        %get3A_501 = tpu.vector_load %arg13[%get3A_499, %get3A_500] {strides = array<i32>} : memref<80x128xf32, #tpu.memory_space<vmem>>, vector<1x16xf32>,
        %get3A_502 = vector.shape_cast %get3A_501 : vector<1x16xf32> to vector<16xf32>
        %add3A_503 = arith.addf %get3A_502, %add3A_498 : vector<16xf32>
        %max3A_504 = arith.constant 0.000000e+00 : f32
        %max3A_505 = vector.broadcast %max3A_504 : f32 to vector<16xf32>
        %max3A_506 = arith.maximumf %add3A_503, %max3A_505 : vector<16xf32>
        %swap3A_507 = arith.index_cast %scan3A_360 : i32 to index
        %swap3A_508 = arith.constant 48 : index
        %swap3A_509 = tpu.vector_load %arg14[%swap3A_507, %swap3A_508] {strides = array<i32>} : memref<80x128xf32, #tpu.memory_space<vmem>>, vector<1x16xf32>,
        %swap3A_510 = vector.shape_cast %swap3A_509 : vector<1x16xf32> to vector<16xf32>
        %swap3A_511 = vector.shape_cast %max3A_506 : vector<16xf32> to vector<1x16xf32>
        tpu.vector_store %arg14[%swap3A_507, %swap3A_508], %swap3A_511 {strides = array<i32>} : memref<80x128xf32, #tpu.memory_space<vmem>>, vector<1x16xf32>,
      }
      %scan3A_201 = arith.constant 80 : i32
      %get3A_202 = arith.constant 0 : i32
      %get3A_203 = arith.index_cast %get3A_202 : i32 to index
      %get3A_204 = arith.constant 64 : index
      %get3A_205 = tpu.vector_load %arg15[%get3A_203, %get3A_204] {strides = array<i32>} : memref<7x128xf32, #tpu.memory_space<vmem>>, vector<1x16xf32>,
      %get3A_206 = vector.shape_cast %get3A_205 : vector<1x16xf32> to vector<16xf32>
      %get3A_207 = arith.constant 0 : i32
      %get3A_208 = arith.index_cast %get3A_207 : i32 to index
      %get3A_209 = arith.constant 80 : index
      %get3A_210 = tpu.vector_load %arg15[%get3A_208, %get3A_209] {strides = array<i32>} : memref<7x128xf32, #tpu.memory_space<vmem>>, vector<1x16xf32>,
      %get3A_211 = vector.shape_cast %get3A_210 : vector<1x16xf32> to vector<16xf32>
      %get3A_212 = arith.constant 0 : i32
      %get3A_213 = arith.index_cast %get3A_212 : i32 to index
      %get3A_214 = arith.constant 96 : index
      %get3A_215 = tpu.vector_load %arg15[%get3A_213, %get3A_214] {strides = array<i32>} : memref<7x128xf32, #tpu.memory_space<vmem>>, vector<1x16xf32>,
      %get3A_216 = vector.shape_cast %get3A_215 : vector<1x16xf32> to vector<16xf32>
      %get3A_217 = arith.constant 0 : i32
      %get3A_218 = arith.index_cast %get3A_217 : i32 to index
      %get3A_219 = arith.constant 112 : index
      %get3A_220 = tpu.vector_load %arg15[%get3A_218, %get3A_219] {strides = array<i32>} : memref<7x128xf32, #tpu.memory_space<vmem>>, vector<1x16xf32>,
      %get3A_221 = vector.shape_cast %get3A_220 : vector<1x16xf32> to vector<16xf32>
      %get3A_222 = arith.constant 1 : i32
      %get3A_223 = arith.index_cast %get3A_222 : i32 to index
      %get3A_224 = arith.constant 64 : index
      %get3A_225 = tpu.vector_load %arg15[%get3A_223, %get3A_224] {strides = array<i32>} : memref<7x128xf32, #tpu.memory_space<vmem>>, vector<1x16xf32>,
      %get3A_226 = vector.shape_cast %get3A_225 : vector<1x16xf32> to vector<16xf32>
      %get3A_227 = arith.constant 1 : i32
      %get3A_228 = arith.index_cast %get3A_227 : i32 to index
      %get3A_229 = arith.constant 80 : index
      %get3A_230 = tpu.vector_load %arg15[%get3A_228, %get3A_229] {strides = array<i32>} : memref<7x128xf32, #tpu.memory_space<vmem>>, vector<1x16xf32>,
      %get3A_231 = vector.shape_cast %get3A_230 : vector<1x16xf32> to vector<16xf32>
      %get3A_232 = arith.constant 1 : i32
      %get3A_233 = arith.index_cast %get3A_232 : i32 to index
      %get3A_234 = arith.constant 96 : index
      %get3A_235 = tpu.vector_load %arg15[%get3A_233, %get3A_234] {strides = array<i32>} : memref<7x128xf32, #tpu.memory_space<vmem>>, vector<1x16xf32>,
      %get3A_236 = vector.shape_cast %get3A_235 : vector<1x16xf32> to vector<16xf32>
      %get3A_237 = arith.constant 1 : i32
      %get3A_238 = arith.index_cast %get3A_237 : i32 to index
      %get3A_239 = arith.constant 112 : index
      %get3A_240 = tpu.vector_load %arg15[%get3A_238, %get3A_239] {strides = array<i32>} : memref<7x128xf32, #tpu.memory_space<vmem>>, vector<1x16xf32>,
      %get3A_241 = vector.shape_cast %get3A_240 : vector<1x16xf32> to vector<16xf32>
      %get3A_242 = arith.constant 2 : i32
      %get3A_243 = arith.index_cast %get3A_242 : i32 to index
      %get3A_244 = arith.constant 64 : index
      %get3A_245 = tpu.vector_load %arg15[%get3A_243, %get3A_244] {strides = array<i32>} : memref<7x128xf32, #tpu.memory_space<vmem>>, vector<1x16xf32>,
      %get3A_246 = vector.shape_cast %get3A_245 : vector<1x16xf32> to vector<16xf32>
      %get3A_247 = arith.constant 2 : i32
      %get3A_248 = arith.index_cast %get3A_247 : i32 to index
      %get3A_249 = arith.constant 80 : index
      %get3A_250 = tpu.vector_load %arg15[%get3A_248, %get3A_249] {strides = array<i32>} : memref<7x128xf32, #tpu.memory_space<vmem>>, vector<1x16xf32>,
      %get3A_251 = vector.shape_cast %get3A_250 : vector<1x16xf32> to vector<16xf32>
      %get3A_252 = arith.constant 2 : i32
      %get3A_253 = arith.index_cast %get3A_252 : i32 to index
      %get3A_254 = arith.constant 96 : index
      %get3A_255 = tpu.vector_load %arg15[%get3A_253, %get3A_254] {strides = array<i32>} : memref<7x128xf32, #tpu.memory_space<vmem>>, vector<1x16xf32>,
      %get3A_256 = vector.shape_cast %get3A_255 : vector<1x16xf32> to vector<16xf32>
      %get3A_257 = arith.constant 2 : i32
      %get3A_258 = arith.index_cast %get3A_257 : i32 to index
      %get3A_259 = arith.constant 112 : index
      %get3A_260 = tpu.vector_load %arg15[%get3A_258, %get3A_259] {strides = array<i32>} : memref<7x128xf32, #tpu.memory_space<vmem>>, vector<1x16xf32>,
      %get3A_261 = vector.shape_cast %get3A_260 : vector<1x16xf32> to vector<16xf32>
      %get3A_262 = arith.constant 3 : i32
      %get3A_263 = arith.index_cast %get3A_262 : i32 to index
      %get3A_264 = arith.constant 64 : index
      %get3A_265 = tpu.vector_load %arg15[%get3A_263, %get3A_264] {strides = array<i32>} : memref<7x128xf32, #tpu.memory_space<vmem>>, vector<1x16xf32>,
      %get3A_266 = vector.shape_cast %get3A_265 : vector<1x16xf32> to vector<16xf32>
      %get3A_267 = arith.constant 3 : i32
      %get3A_268 = arith.index_cast %get3A_267 : i32 to index
      %get3A_269 = arith.constant 80 : index
      %get3A_270 = tpu.vector_load %arg15[%get3A_268, %get3A_269] {strides = array<i32>} : memref<7x128xf32, #tpu.memory_space<vmem>>, vector<1x16xf32>,
      %get3A_271 = vector.shape_cast %get3A_270 : vector<1x16xf32> to vector<16xf32>
      %get3A_272 = arith.constant 3 : i32
      %get3A_273 = arith.index_cast %get3A_272 : i32 to index
      %get3A_274 = arith.constant 96 : index
      %get3A_275 = tpu.vector_load %arg15[%get3A_273, %get3A_274] {strides = array<i32>} : memref<7x128xf32, #tpu.memory_space<vmem>>, vector<1x16xf32>,
      %get3A_276 = vector.shape_cast %get3A_275 : vector<1x16xf32> to vector<16xf32>
      %get3A_277 = arith.constant 3 : i32
      %get3A_278 = arith.index_cast %get3A_277 : i32 to index
      %get3A_279 = arith.constant 112 : index
      %get3A_280 = tpu.vector_load %arg15[%get3A_278, %get3A_279] {strides = array<i32>} : memref<7x128xf32, #tpu.memory_space<vmem>>, vector<1x16xf32>,
      %get3A_281 = vector.shape_cast %get3A_280 : vector<1x16xf32> to vector<16xf32>
      %get3A_282 = arith.constant 4 : i32
      %get3A_283 = arith.index_cast %get3A_282 : i32 to index
      %get3A_284 = arith.constant 64 : index
      %get3A_285 = tpu.vector_load %arg15[%get3A_283, %get3A_284] {strides = array<i32>} : memref<7x128xf32, #tpu.memory_space<vmem>>, vector<1x16xf32>,
      %get3A_286 = vector.shape_cast %get3A_285 : vector<1x16xf32> to vector<16xf32>
      %get3A_287 = arith.constant 4 : i32
      %get3A_288 = arith.index_cast %get3A_287 : i32 to index
      %get3A_289 = arith.constant 80 : index
      %get3A_290 = tpu.vector_load %arg15[%get3A_288, %get3A_289] {strides = array<i32>} : memref<7x128xf32, #tpu.memory_space<vmem>>, vector<1x16xf32>,
      %get3A_291 = vector.shape_cast %get3A_290 : vector<1x16xf32> to vector<16xf32>
      %get3A_292 = arith.constant 4 : i32
      %get3A_293 = arith.index_cast %get3A_292 : i32 to index
      %get3A_294 = arith.constant 96 : index
      %get3A_295 = tpu.vector_load %arg15[%get3A_293, %get3A_294] {strides = array<i32>} : memref<7x128xf32, #tpu.memory_space<vmem>>, vector<1x16xf32>,
      %get3A_296 = vector.shape_cast %get3A_295 : vector<1x16xf32> to vector<16xf32>
      %get3A_297 = arith.constant 4 : i32
      %get3A_298 = arith.index_cast %get3A_297 : i32 to index
      %get3A_299 = arith.constant 112 : index
      %get3A_300 = tpu.vector_load %arg15[%get3A_298, %get3A_299] {strides = array<i32>} : memref<7x128xf32, #tpu.memory_space<vmem>>, vector<1x16xf32>,
      %get3A_301 = vector.shape_cast %get3A_300 : vector<1x16xf32> to vector<16xf32>
      %get3A_302 = arith.constant 5 : i32
      %get3A_303 = arith.index_cast %get3A_302 : i32 to index
      %get3A_304 = arith.constant 64 : index
      %get3A_305 = tpu.vector_load %arg15[%get3A_303, %get3A_304] {strides = array<i32>} : memref<7x128xf32, #tpu.memory_space<vmem>>, vector<1x16xf32>,
      %get3A_306 = vector.shape_cast %get3A_305 : vector<1x16xf32> to vector<16xf32>
      %get3A_307 = arith.constant 5 : i32
      %get3A_308 = arith.index_cast %get3A_307 : i32 to index
      %get3A_309 = arith.constant 80 : index
      %get3A_310 = tpu.vector_load %arg15[%get3A_308, %get3A_309] {strides = array<i32>} : memref<7x128xf32, #tpu.memory_space<vmem>>, vector<1x16xf32>,
      %get3A_311 = vector.shape_cast %get3A_310 : vector<1x16xf32> to vector<16xf32>
      %get3A_312 = arith.constant 5 : i32
      %get3A_313 = arith.index_cast %get3A_312 : i32 to index
      %get3A_314 = arith.constant 96 : index
      %get3A_315 = tpu.vector_load %arg15[%get3A_313, %get3A_314] {strides = array<i32>} : memref<7x128xf32, #tpu.memory_space<vmem>>, vector<1x16xf32>,
      %get3A_316 = vector.shape_cast %get3A_315 : vector<1x16xf32> to vector<16xf32>
      %get3A_317 = arith.constant 5 : i32
      %get3A_318 = arith.index_cast %get3A_317 : i32 to index
      %get3A_319 = arith.constant 112 : index
      %get3A_320 = tpu.vector_load %arg15[%get3A_318, %get3A_319] {strides = array<i32>} : memref<7x128xf32, #tpu.memory_space<vmem>>, vector<1x16xf32>,
      %get3A_321 = vector.shape_cast %get3A_320 : vector<1x16xf32> to vector<16xf32>
      %get3A_322 = arith.constant 6 : i32
      %get3A_323 = arith.index_cast %get3A_322 : i32 to index
      %get3A_324 = arith.constant 64 : index
      %get3A_325 = tpu.vector_load %arg15[%get3A_323, %get3A_324] {strides = array<i32>} : memref<7x128xf32, #tpu.memory_space<vmem>>, vector<1x16xf32>,
      %get3A_326 = vector.shape_cast %get3A_325 : vector<1x16xf32> to vector<16xf32>
      %get3A_327 = arith.constant 6 : i32
      %get3A_328 = arith.index_cast %get3A_327 : i32 to index
      %get3A_329 = arith.constant 80 : index
      %get3A_330 = tpu.vector_load %arg15[%get3A_328, %get3A_329] {strides = array<i32>} : memref<7x128xf32, #tpu.memory_space<vmem>>, vector<1x16xf32>,
      %get3A_331 = vector.shape_cast %get3A_330 : vector<1x16xf32> to vector<16xf32>
      %get3A_332 = arith.constant 6 : i32
      %get3A_333 = arith.index_cast %get3A_332 : i32 to index
      %get3A_334 = arith.constant 96 : index
      %get3A_335 = tpu.vector_load %arg15[%get3A_333, %get3A_334] {strides = array<i32>} : memref<7x128xf32, #tpu.memory_space<vmem>>, vector<1x16xf32>,
      %get3A_336 = vector.shape_cast %get3A_335 : vector<1x16xf32> to vector<16xf32>
      %get3A_337 = arith.constant 6 : i32
      %get3A_338 = arith.index_cast %get3A_337 : i32 to index
      %get3A_339 = arith.constant 112 : index
      %get3A_340 = tpu.vector_load %arg15[%get3A_338, %get3A_339] {strides = array<i32>} : memref<7x128xf32, #tpu.memory_space<vmem>>, vector<1x16xf32>,
      %get3A_341 = vector.shape_cast %get3A_340 : vector<1x16xf32> to vector<16xf32>
      %get3A_342 = arith.constant 64 : index
      %get3A_343 = tpu.vector_load %arg16[%get3A_342] {strides = array<i32>} : memref<128xf32, #tpu.memory_space<vmem>>, vector<16xf32>,
      %get3A_344 = vector.shape_cast %get3A_343 : vector<16xf32> to vector<16xf32>
      %get3A_345 = arith.constant 80 : index
      %get3A_346 = tpu.vector_load %arg16[%get3A_345] {strides = array<i32>} : memref<128xf32, #tpu.memory_space<vmem>>, vector<16xf32>,
      %get3A_347 = vector.shape_cast %get3A_346 : vector<16xf32> to vector<16xf32>
      %get3A_348 = arith.constant 96 : index
      %get3A_349 = tpu.vector_load %arg16[%get3A_348] {strides = array<i32>} : memref<128xf32, #tpu.memory_space<vmem>>, vector<16xf32>,
      %get3A_350 = vector.shape_cast %get3A_349 : vector<16xf32> to vector<16xf32>
      %get3A_351 = arith.constant 112 : index
      %get3A_352 = tpu.vector_load %arg16[%get3A_351] {strides = array<i32>} : memref<128xf32, #tpu.memory_space<vmem>>, vector<16xf32>,
      %get3A_353 = vector.shape_cast %get3A_352 : vector<16xf32> to vector<16xf32>
      %scan3A_354 = arith.constant 0 : i32
      %scan3A_355 = arith.constant 0 : i32
      %scan3A_356 = arith.constant 80 : i32
      %scan3A_357 = arith.addi %scan3A_355, %scan3A_356 : i32
      %scan3A_358 = arith.constant 1 : i32
      scf.for %scan3A_360 = %scan3A_355 to %scan3A_357 step %scan3A_358  : i32 {
        %mul3A_361 = arith.constant 8 : i32
        %mul3A_362 = arith.muli %scan3A_360, %mul3A_361 : i32
        %get3A_363 = arith.index_cast %mul3A_362 : i32 to index
        %get3A_364 = tpu.vector_load %arg12[%get3A_363] {strides = array<i32>} : memref<656xf32, #tpu.memory_space<vmem>>, vector<16xf32>,
        %get3A_365 = vector.shape_cast %get3A_364 : vector<16xf32> to vector<16xf32>
        %slice3A = vector.extract_strided_slice %get3A_365 {offsets = [0], sizes = [1], strides = [1]} : vector<16xf32> to vector<1xf32>
        %squeeze3A = vector.extract %slice3A[0] : f32 from vector<1xf32>
        %slice3A_366 = vector.extract_strided_slice %get3A_365 {offsets = [1], sizes = [1], strides = [1]} : vector<16xf32> to vector<1xf32>
        %squeeze3A_367 = vector.extract %slice3A_366[0] : f32 from vector<1xf32>
        %slice3A_368 = vector.extract_strided_slice %get3A_365 {offsets = [2], sizes = [1], strides = [1]} : vector<16xf32> to vector<1xf32>
        %squeeze3A_369 = vector.extract %slice3A_368[0] : f32 from vector<1xf32>
        %slice3A_370 = vector.extract_strided_slice %get3A_365 {offsets = [3], sizes = [1], strides = [1]} : vector<16xf32> to vector<1xf32>
        %squeeze3A_371 = vector.extract %slice3A_370[0] : f32 from vector<1xf32>
        %slice3A_372 = vector.extract_strided_slice %get3A_365 {offsets = [4], sizes = [1], strides = [1]} : vector<16xf32> to vector<1xf32>
        %squeeze3A_373 = vector.extract %slice3A_372[0] : f32 from vector<1xf32>
        %slice3A_374 = vector.extract_strided_slice %get3A_365 {offsets = [5], sizes = [1], strides = [1]} : vector<16xf32> to vector<1xf32>
        %squeeze3A_375 = vector.extract %slice3A_374[0] : f32 from vector<1xf32>
        %slice3A_376 = vector.extract_strided_slice %get3A_365 {offsets = [6], sizes = [1], strides = [1]} : vector<16xf32> to vector<1xf32>
        %squeeze3A_377 = vector.extract %slice3A_376[0] : f32 from vector<1xf32>
        %mul3A_378 = vector.broadcast %squeeze3A : f32 to vector<16xf32>
        %mul3A_379 = arith.mulf %mul3A_378, %get3A_206 : vector<16xf32>
        %add3A_380 = arith.addf %get3A_344, %mul3A_379 : vector<16xf32>
        %mul3A_381 = vector.broadcast %squeeze3A_367 : f32 to vector<16xf32>
        %mul3A_382 = arith.mulf %mul3A_381, %get3A_226 : vector<16xf32>
        %add3A_383 = arith.addf %add3A_380, %mul3A_382 : vector<16xf32>
        %mul3A_384 = vector.broadcast %squeeze3A_369 : f32 to vector<16xf32>
        %mul3A_385 = arith.mulf %mul3A_384, %get3A_246 : vector<16xf32>
        %add3A_386 = arith.addf %add3A_383, %mul3A_385 : vector<16xf32>
        %mul3A_387 = vector.broadcast %squeeze3A_371 : f32 to vector<16xf32>
        %mul3A_388 = arith.mulf %mul3A_387, %get3A_266 : vector<16xf32>
        %add3A_389 = arith.addf %add3A_386, %mul3A_388 : vector<16xf32>
        %mul3A_390 = vector.broadcast %squeeze3A_373 : f32 to vector<16xf32>
        %mul3A_391 = arith.mulf %mul3A_390, %get3A_286 : vector<16xf32>
        %add3A_392 = arith.addf %add3A_389, %mul3A_391 : vector<16xf32>
        %mul3A_393 = vector.broadcast %squeeze3A_375 : f32 to vector<16xf32>
        %mul3A_394 = arith.mulf %mul3A_393, %get3A_306 : vector<16xf32>
        %add3A_395 = arith.addf %add3A_392, %mul3A_394 : vector<16xf32>
        %mul3A_396 = vector.broadcast %squeeze3A_377 : f32 to vector<16xf32>
        %mul3A_397 = arith.mulf %mul3A_396, %get3A_326 : vector<16xf32>
        %add3A_398 = arith.addf %add3A_395, %mul3A_397 : vector<16xf32>
        %get3A_399 = arith.index_cast %scan3A_360 : i32 to index
        %get3A_400 = arith.constant 64 : index
        %get3A_401 = tpu.vector_load %arg13[%get3A_399, %get3A_400] {strides = array<i32>} : memref<80x128xf32, #tpu.memory_space<vmem>>, vector<1x16xf32>,
        %get3A_402 = vector.shape_cast %get3A_401 : vector<1x16xf32> to vector<16xf32>
        %add3A_403 = arith.addf %get3A_402, %add3A_398 : vector<16xf32>
        %max3A = arith.constant 0.000000e+00 : f32
        %max3A_404 = vector.broadcast %max3A : f32 to vector<16xf32>
        %max3A_405 = arith.maximumf %add3A_403, %max3A_404 : vector<16xf32>
        %swap3A = arith.index_cast %scan3A_360 : i32 to index
        %swap3A_406 = arith.constant 64 : index
        %swap3A_407 = tpu.vector_load %arg14[%swap3A, %swap3A_406] {strides = array<i32>} : memref<80x128xf32, #tpu.memory_space<vmem>>, vector<1x16xf32>,
        %swap3A_408 = vector.shape_cast %swap3A_407 : vector<1x16xf32> to vector<16xf32>
        %swap3A_409 = vector.shape_cast %max3A_405 : vector<16xf32> to vector<1x16xf32>
        tpu.vector_store %arg14[%swap3A, %swap3A_406], %swap3A_409 {strides = array<i32>} : memref<80x128xf32, #tpu.memory_space<vmem>>, vector<1x16xf32>,
        %mul3A_410 = vector.broadcast %squeeze3A : f32 to vector<16xf32>
        %mul3A_411 = arith.mulf %mul3A_410, %get3A_211 : vector<16xf32>
        %add3A_412 = arith.addf %get3A_347, %mul3A_411 : vector<16xf32>
        %mul3A_413 = vector.broadcast %squeeze3A_367 : f32 to vector<16xf32>
        %mul3A_414 = arith.mulf %mul3A_413, %get3A_231 : vector<16xf32>
        %add3A_415 = arith.addf %add3A_412, %mul3A_414 : vector<16xf32>
        %mul3A_416 = vector.broadcast %squeeze3A_369 : f32 to vector<16xf32>
        %mul3A_417 = arith.mulf %mul3A_416, %get3A_251 : vector<16xf32>
        %add3A_418 = arith.addf %add3A_415, %mul3A_417 : vector<16xf32>
        %mul3A_419 = vector.broadcast %squeeze3A_371 : f32 to vector<16xf32>
        %mul3A_420 = arith.mulf %mul3A_419, %get3A_271 : vector<16xf32>
        %add3A_421 = arith.addf %add3A_418, %mul3A_420 : vector<16xf32>
        %mul3A_422 = vector.broadcast %squeeze3A_373 : f32 to vector<16xf32>
        %mul3A_423 = arith.mulf %mul3A_422, %get3A_291 : vector<16xf32>
        %add3A_424 = arith.addf %add3A_421, %mul3A_423 : vector<16xf32>
        %mul3A_425 = vector.broadcast %squeeze3A_375 : f32 to vector<16xf32>
        %mul3A_426 = arith.mulf %mul3A_425, %get3A_311 : vector<16xf32>
        %add3A_427 = arith.addf %add3A_424, %mul3A_426 : vector<16xf32>
        %mul3A_428 = vector.broadcast %squeeze3A_377 : f32 to vector<16xf32>
        %mul3A_429 = arith.mulf %mul3A_428, %get3A_331 : vector<16xf32>
        %add3A_430 = arith.addf %add3A_427, %mul3A_429 : vector<16xf32>
        %get3A_431 = arith.index_cast %scan3A_360 : i32 to index
        %get3A_432 = arith.constant 80 : index
        %get3A_433 = tpu.vector_load %arg13[%get3A_431, %get3A_432] {strides = array<i32>} : memref<80x128xf32, #tpu.memory_space<vmem>>, vector<1x16xf32>,
        %get3A_434 = vector.shape_cast %get3A_433 : vector<1x16xf32> to vector<16xf32>
        %add3A_435 = arith.addf %get3A_434, %add3A_430 : vector<16xf32>
        %max3A_436 = arith.constant 0.000000e+00 : f32
        %max3A_437 = vector.broadcast %max3A_436 : f32 to vector<16xf32>
        %max3A_438 = arith.maximumf %add3A_435, %max3A_437 : vector<16xf32>
        %swap3A_439 = arith.index_cast %scan3A_360 : i32 to index
        %swap3A_440 = arith.constant 80 : index
        %swap3A_441 = tpu.vector_load %arg14[%swap3A_439, %swap3A_440] {strides = array<i32>} : memref<80x128xf32, #tpu.memory_space<vmem>>, vector<1x16xf32>,
        %swap3A_442 = vector.shape_cast %swap3A_441 : vector<1x16xf32> to vector<16xf32>
        %swap3A_443 = vector.shape_cast %max3A_438 : vector<16xf32> to vector<1x16xf32>
        tpu.vector_store %arg14[%swap3A_439, %swap3A_440], %swap3A_443 {strides = array<i32>} : memref<80x128xf32, #tpu.memory_space<vmem>>, vector<1x16xf32>,
        %mul3A_444 = vector.broadcast %squeeze3A : f32 to vector<16xf32>
        %mul3A_445 = arith.mulf %mul3A_444, %get3A_216 : vector<16xf32>
        %add3A_446 = arith.addf %get3A_350, %mul3A_445 : vector<16xf32>
        %mul3A_447 = vector.broadcast %squeeze3A_367 : f32 to vector<16xf32>
        %mul3A_448 = arith.mulf %mul3A_447, %get3A_236 : vector<16xf32>
        %add3A_449 = arith.addf %add3A_446, %mul3A_448 : vector<16xf32>
        %mul3A_450 = vector.broadcast %squeeze3A_369 : f32 to vector<16xf32>
        %mul3A_451 = arith.mulf %mul3A_450, %get3A_256 : vector<16xf32>
        %add3A_452 = arith.addf %add3A_449, %mul3A_451 : vector<16xf32>
        %mul3A_453 = vector.broadcast %squeeze3A_371 : f32 to vector<16xf32>
        %mul3A_454 = arith.mulf %mul3A_453, %get3A_276 : vector<16xf32>
        %add3A_455 = arith.addf %add3A_452, %mul3A_454 : vector<16xf32>
        %mul3A_456 = vector.broadcast %squeeze3A_373 : f32 to vector<16xf32>
        %mul3A_457 = arith.mulf %mul3A_456, %get3A_296 : vector<16xf32>
        %add3A_458 = arith.addf %add3A_455, %mul3A_457 : vector<16xf32>
        %mul3A_459 = vector.broadcast %squeeze3A_375 : f32 to vector<16xf32>
        %mul3A_460 = arith.mulf %mul3A_459, %get3A_316 : vector<16xf32>
        %add3A_461 = arith.addf %add3A_458, %mul3A_460 : vector<16xf32>
        %mul3A_462 = vector.broadcast %squeeze3A_377 : f32 to vector<16xf32>
        %mul3A_463 = arith.mulf %mul3A_462, %get3A_336 : vector<16xf32>
        %add3A_464 = arith.addf %add3A_461, %mul3A_463 : vector<16xf32>
        %get3A_465 = arith.index_cast %scan3A_360 : i32 to index
        %get3A_466 = arith.constant 96 : index
        %get3A_467 = tpu.vector_load %arg13[%get3A_465, %get3A_466] {strides = array<i32>} : memref<80x128xf32, #tpu.memory_space<vmem>>, vector<1x16xf32>,
        %get3A_468 = vector.shape_cast %get3A_467 : vector<1x16xf32> to vector<16xf32>
        %add3A_469 = arith.addf %get3A_468, %add3A_464 : vector<16xf32>
        %max3A_470 = arith.constant 0.000000e+00 : f32
        %max3A_471 = vector.broadcast %max3A_470 : f32 to vector<16xf32>
        %max3A_472 = arith.maximumf %add3A_469, %max3A_471 : vector<16xf32>
        %swap3A_473 = arith.index_cast %scan3A_360 : i32 to index
        %swap3A_474 = arith.constant 96 : index
        %swap3A_475 = tpu.vector_load %arg14[%swap3A_473, %swap3A_474] {strides = array<i32>} : memref<80x128xf32, #tpu.memory_space<vmem>>, vector<1x16xf32>,
        %swap3A_476 = vector.shape_cast %swap3A_475 : vector<1x16xf32> to vector<16xf32>
        %swap3A_477 = vector.shape_cast %max3A_472 : vector<16xf32> to vector<1x16xf32>
        tpu.vector_store %arg14[%swap3A_473, %swap3A_474], %swap3A_477 {strides = array<i32>} : memref<80x128xf32, #tpu.memory_space<vmem>>, vector<1x16xf32>,
        %mul3A_478 = vector.broadcast %squeeze3A : f32 to vector<16xf32>
        %mul3A_479 = arith.mulf %mul3A_478, %get3A_221 : vector<16xf32>
        %add3A_480 = arith.addf %get3A_353, %mul3A_479 : vector<16xf32>
        %mul3A_481 = vector.broadcast %squeeze3A_367 : f32 to vector<16xf32>
        %mul3A_482 = arith.mulf %mul3A_481, %get3A_241 : vector<16xf32>
        %add3A_483 = arith.addf %add3A_480, %mul3A_482 : vector<16xf32>
        %mul3A_484 = vector.broadcast %squeeze3A_369 : f32 to vector<16xf32>
        %mul3A_485 = arith.mulf %mul3A_484, %get3A_261 : vector<16xf32>
        %add3A_486 = arith.addf %add3A_483, %mul3A_485 : vector<16xf32>
        %mul3A_487 = vector.broadcast %squeeze3A_371 : f32 to vector<16xf32>
        %mul3A_488 = arith.mulf %mul3A_487, %get3A_281 : vector<16xf32>
        %add3A_489 = arith.addf %add3A_486, %mul3A_488 : vector<16xf32>
        %mul3A_490 = vector.broadcast %squeeze3A_373 : f32 to vector<16xf32>
        %mul3A_491 = arith.mulf %mul3A_490, %get3A_301 : vector<16xf32>
        %add3A_492 = arith.addf %add3A_489, %mul3A_491 : vector<16xf32>
        %mul3A_493 = vector.broadcast %squeeze3A_375 : f32 to vector<16xf32>
        %mul3A_494 = arith.mulf %mul3A_493, %get3A_321 : vector<16xf32>
        %add3A_495 = arith.addf %add3A_492, %mul3A_494 : vector<16xf32>
        %mul3A_496 = vector.broadcast %squeeze3A_377 : f32 to vector<16xf32>
        %mul3A_497 = arith.mulf %mul3A_496, %get3A_341 : vector<16xf32>
        %add3A_498 = arith.addf %add3A_495, %mul3A_497 : vector<16xf32>
        %get3A_499 = arith.index_cast %scan3A_360 : i32 to index
        %get3A_500 = arith.constant 112 : index
        %get3A_501 = tpu.vector_load %arg13[%get3A_499, %get3A_500] {strides = array<i32>} : memref<80x128xf32, #tpu.memory_space<vmem>>, vector<1x16xf32>,
        %get3A_502 = vector.shape_cast %get3A_501 : vector<1x16xf32> to vector<16xf32>
        %add3A_503 = arith.addf %get3A_502, %add3A_498 : vector<16xf32>
        %max3A_504 = arith.constant 0.000000e+00 : f32
        %max3A_505 = vector.broadcast %max3A_504 : f32 to vector<16xf32>
        %max3A_506 = arith.maximumf %add3A_503, %max3A_505 : vector<16xf32>
        %swap3A_507 = arith.index_cast %scan3A_360 : i32 to index
        %swap3A_508 = arith.constant 112 : index
        %swap3A_509 = tpu.vector_load %arg14[%swap3A_507, %swap3A_508] {strides = array<i32>} : memref<80x128xf32, #tpu.memory_space<vmem>>, vector<1x16xf32>,
        %swap3A_510 = vector.shape_cast %swap3A_509 : vector<1x16xf32> to vector<16xf32>
        %swap3A_511 = vector.shape_cast %max3A_506 : vector<16xf32> to vector<1x16xf32>
        tpu.vector_store %arg14[%swap3A_507, %swap3A_508], %swap3A_511 {strides = array<i32>} : memref<80x128xf32, #tpu.memory_space<vmem>>, vector<1x16xf32>,
      }
      %scan3A_359 = arith.constant 80 : i32
      "tpu.region"() ({
        %run_scoped3A = tpu.sem_alloc : memref<!tpu.dma_semaphore, #tpu.memory_space<semaphore_mem>>
        %dma_start3A = arith.constant 0 : i32
        %dma_start3A_360 = arith.constant 0 : i32
        %dma_start3A_361 = tpu.memref_slice %arg18[%dma_start3A, %dma_start3A_360] : memref<10000x128xf32, #tpu.memory_space<vmem_shared>> -> memref<10000x128xf32, #tpu.memory_space<vmem_shared>>
        tpu.enqueue_indirect_dma source(%arg14 : memref<80x128xf32, #tpu.memory_space<vmem>>) target(%dma_start3A_361 : memref<10000x128xf32, #tpu.memory_space<vmem_shared>>) offsets(%arg11 : memref<80xi32, #tpu.memory_space<vmem>>) semaphore(%run_scoped3A : memref<!tpu.dma_semaphore, #tpu.memory_space<semaphore_mem>>) {add = true}
        %dma_wait3A = arith.constant 0 : i32
        %dma_wait3A_362 = arith.constant 0 : i32
        %dma_wait3A_363 = tpu.memref_slice %arg18[%dma_wait3A, %dma_wait3A_362] : memref<10000x128xf32, #tpu.memory_space<vmem_shared>> -> memref<10000x128xf32, #tpu.memory_space<vmem_shared>>
        tpu.wait_indirect_dma semaphore(%run_scoped3A : memref<!tpu.dma_semaphore, #tpu.memory_space<semaphore_mem>>) src(%arg14 : memref<80x128xf32, #tpu.memory_space<vmem>>) dst(%dma_wait3A_363 : memref<10000x128xf32, #tpu.memory_space<vmem_shared>>)
        tpu.yield
      }) : () -> ()
    }
    %scan3A_19 = arith.constant 125 : i32
    %barrier3A_20 = arith.constant 0 : index
    tpu.barrier barrier_id(%barrier3A_20)
    "tpu.region"() ({
      %run_scoped3A = tpu.sem_alloc : memref<!tpu.dma_semaphore, #tpu.memory_space<semaphore_mem>>
      %dma_start3A = arith.constant 0 : i32
      %dma_start3A_26 = tpu.memref_slice %arg9[%arg0, %multiple_of3A, %dma_start3A] : memref<2x10000x128xf32, #tpu.memory_space<hbm>> -> memref<1x624x128xf32, #tpu.memory_space<hbm>>
      %dma_start3A_27 = tpu.memref_squeeze %dma_start3A_26 : memref<1x624x128xf32, #tpu.memory_space<hbm>> -> memref<624x128xf32, #tpu.memory_space<hbm>>
      %dma_start3A_28 = arith.constant 0 : i32
      %dma_start3A_29 = tpu.memref_slice %arg18[%multiple_of3A, %dma_start3A_28] : memref<10000x128xf32, #tpu.memory_space<vmem_shared>> -> memref<624x128xf32, #tpu.memory_space<vmem_shared>>
      tpu.enqueue_dma source(%dma_start3A_29 : memref<624x128xf32, #tpu.memory_space<vmem_shared>>) target(%dma_start3A_27 : memref<624x128xf32, #tpu.memory_space<hbm>>) target_semaphore(%run_scoped3A : memref<!tpu.dma_semaphore, #tpu.memory_space<semaphore_mem>>)
      %dma_wait3A = arith.constant 0 : i32
      %dma_wait3A_30 = tpu.memref_slice %arg9[%arg0, %multiple_of3A, %dma_wait3A] : memref<2x10000x128xf32, #tpu.memory_space<hbm>> -> memref<1x624x128xf32, #tpu.memory_space<hbm>>
      %dma_wait3A_31 = tpu.memref_squeeze %dma_wait3A_30 : memref<1x624x128xf32, #tpu.memory_space<hbm>> -> memref<624x128xf32, #tpu.memory_space<hbm>>
      %dma_wait3A_32 = arith.constant 0 : i32
      %dma_wait3A_33 = tpu.memref_slice %arg18[%multiple_of3A, %dma_wait3A_32] : memref<10000x128xf32, #tpu.memory_space<vmem_shared>> -> memref<624x128xf32, #tpu.memory_space<vmem_shared>>
      tpu.wait_dma2 semaphore(%run_scoped3A : memref<!tpu.dma_semaphore, #tpu.memory_space<semaphore_mem>>) src(%dma_wait3A_33 : memref<624x128xf32, #tpu.memory_space<vmem_shared>>) dst(%dma_wait3A_31 : memref<624x128xf32, #tpu.memory_space<hbm>>)
      tpu.yield
    }) : () -> ()
    %eq3A_21 = arith.constant 0 : i32
    %eq3A_22 = arith.cmpi eq, %arg1, %eq3A_21 : i32
    %convert_element_type3A_23 = arith.extui %eq3A_22 : i1 to i32
    %cond3A_24 = arith.constant 0 : i32
    %cond3A_25 = arith.cmpi ne, %convert_element_type3A_23, %cond3A_24 : i32
    scf.if %cond3A_25 {
      %multiple_of3A_26 = arith.constant 9984 : i32
      %multiple_of3A_27 = tpu.assume_multiple %multiple_of3A_26, 8 : i32
      "tpu.region"() ({
        %run_scoped3A = tpu.sem_alloc : memref<!tpu.dma_semaphore, #tpu.memory_space<semaphore_mem>>
        %dma_start3A = arith.constant 0 : i32
        %dma_start3A_28 = tpu.memref_slice %arg9[%arg0, %multiple_of3A_27, %dma_start3A] : memref<2x10000x128xf32, #tpu.memory_space<hbm>> -> memref<1x16x128xf32, #tpu.memory_space<hbm>>
        %dma_start3A_29 = tpu.memref_squeeze %dma_start3A_28 : memref<1x16x128xf32, #tpu.memory_space<hbm>> -> memref<16x128xf32, #tpu.memory_space<hbm>>
        %dma_start3A_30 = arith.constant 0 : i32
        %dma_start3A_31 = tpu.memref_slice %arg18[%multiple_of3A_27, %dma_start3A_30] : memref<10000x128xf32, #tpu.memory_space<vmem_shared>> -> memref<16x128xf32, #tpu.memory_space<vmem_shared>>
        tpu.enqueue_dma source(%dma_start3A_31 : memref<16x128xf32, #tpu.memory_space<vmem_shared>>) target(%dma_start3A_29 : memref<16x128xf32, #tpu.memory_space<hbm>>) target_semaphore(%run_scoped3A : memref<!tpu.dma_semaphore, #tpu.memory_space<semaphore_mem>>)
        %dma_wait3A = arith.constant 0 : i32
        %dma_wait3A_32 = tpu.memref_slice %arg9[%arg0, %multiple_of3A_27, %dma_wait3A] : memref<2x10000x128xf32, #tpu.memory_space<hbm>> -> memref<1x16x128xf32, #tpu.memory_space<hbm>>
        %dma_wait3A_33 = tpu.memref_squeeze %dma_wait3A_32 : memref<1x16x128xf32, #tpu.memory_space<hbm>> -> memref<16x128xf32, #tpu.memory_space<hbm>>
        %dma_wait3A_34 = arith.constant 0 : i32
        %dma_wait3A_35 = tpu.memref_slice %arg18[%multiple_of3A_27, %dma_wait3A_34] : memref<10000x128xf32, #tpu.memory_space<vmem_shared>> -> memref<16x128xf32, #tpu.memory_space<vmem_shared>>
        tpu.wait_dma2 semaphore(%run_scoped3A : memref<!tpu.dma_semaphore, #tpu.memory_space<semaphore_mem>>) src(%dma_wait3A_35 : memref<16x128xf32, #tpu.memory_space<vmem_shared>>) dst(%dma_wait3A_33 : memref<16x128xf32, #tpu.memory_space<hbm>>)
        tpu.yield
      }) : () -> ()
    } else {
    }
    return
  }
}

module attributes {stable_mosaic.version = 14 : i64} {
  func.func @_mlp1_body(%arg0: i32, %arg1: memref<1x1xf32, #tpu.memory_space<smem>>, %arg2: memref<1000x256xf32, #tpu.memory_space<vmem>>, %arg3: memref<1x1000x128xf32, #tpu.memory_space<vmem>>, %arg4: memref<1x1000x128xf32, #tpu.memory_space<vmem>>, %arg5: memref<256x512xf32, #tpu.memory_space<vmem>>, %arg6: memref<1x512xf32, #tpu.memory_space<vmem>>, %arg7: memref<1000x512xf32, #tpu.memory_space<vmem>>, %arg8: memref<8x512xf32, #tpu.memory_space<vmem>>) attributes {dimension_semantics = [#tpu.dimension_semantics<arbitrary>], iteration_bounds = array<i64: 10>, scalar_prefetch = 0 : i64, scratch_operands = 0 : i64, tpu.core_type = #tpu.core_type<tc>, window_params = [{transform_indices = @transform_0, window_bounds = array<i64: 1, 1>}, {transform_indices = @transform_1, window_bounds = array<i64: 1000, 256>}, {transform_indices = @transform_2, window_bounds = array<i64: 1, 1000, 128>}, {transform_indices = @transform_3, window_bounds = array<i64: 1, 1000, 128>}, {pipeline_mode = #tpu.pipeline_mode<synchronous>, transform_indices = @transform_4, window_bounds = array<i64: 256, 512>}, {pipeline_mode = #tpu.pipeline_mode<synchronous>, transform_indices = @transform_5, window_bounds = array<i64: 1, 512>}, {transform_indices = @transform_6, window_bounds = array<i64: 1000, 512>}, {pipeline_mode = #tpu.pipeline_mode<synchronous>, transform_indices = @transform_7, window_bounds = array<i64: 8, 512>}]} {
    %get3A = arith.constant 0 : index
    %get3A_0 = arith.constant 0 : index
    %get3A_1 = memref.load %arg1[%get3A, %get3A_0] : memref<1x1xf32, #tpu.memory_space<smem>>
    %add3A = arith.constant 1.000000e+00 : f32
    %add3A_2 = arith.addf %add3A, %get3A_1 : f32
    %get3A_3 = arith.constant 0 : index
    %get3A_4 = arith.constant 0 : index
    %get3A_5 = arith.constant 0 : index
    %get3A_6 = vector.load %arg3[%get3A_3, %get3A_4, %get3A_5] : memref<1x1000x128xf32, #tpu.memory_space<vmem>>, vector<1x1000x128xf32>
    %get3A_7 = vector.shape_cast %get3A_6 : vector<1x1000x128xf32> to vector<1000x128xf32>
    %get3A_8 = arith.constant 0 : index
    %get3A_9 = arith.constant 0 : index
    %get3A_10 = arith.constant 0 : index
    %get3A_11 = vector.load %arg4[%get3A_8, %get3A_9, %get3A_10] : memref<1x1000x128xf32, #tpu.memory_space<vmem>>, vector<1x1000x128xf32>
    %get3A_12 = vector.shape_cast %get3A_11 : vector<1x1000x128xf32> to vector<1000x128xf32>
    %concatenate3A = tpu.concatenate %get3A_7, %get3A_12 in 1 : vector<1000x128xf32>, vector<1000x128xf32> -> vector<1000x256xf32>
    %get3A_13 = arith.constant 0 : index
    %get3A_14 = arith.constant 0 : index
    %get3A_15 = vector.load %arg2[%get3A_13, %get3A_14] : memref<1000x256xf32, #tpu.memory_space<vmem>>, vector<1000x256xf32>
    %mul3A = vector.broadcast %add3A_2 : f32 to vector<1000x256xf32>
    %mul3A_16 = arith.mulf %mul3A, %get3A_15 : vector<1000x256xf32>
    %add3A_17 = arith.addf %mul3A_16, %concatenate3A : vector<1000x256xf32>
    %get3A_18 = arith.constant 0 : index
    %get3A_19 = arith.constant 0 : index
    %get3A_20 = vector.load %arg5[%get3A_18, %get3A_19] : memref<256x512xf32, #tpu.memory_space<vmem>>, vector<256x512xf32>
    %dot_general3A = arith.constant dense<0.000000e+00> : vector<1000x512xf32>
    %dot_general3A_21 = tpu.matmul %add3A_17, %get3A_20, %dot_general3A {dimension_numbers = #tpu.dot_dimension_numbers<[1], [0], [0], [1], [0, 0, 1, 1], [], []>, transpose_lhs_hint = false} : vector<1000x256xf32>, vector<256x512xf32>, vector<1000x512xf32> -> vector<1000x512xf32>
    %get3A_22 = arith.constant 0 : index
    %get3A_23 = arith.constant 0 : index
    %get3A_24 = vector.load %arg6[%get3A_22, %get3A_23] : memref<1x512xf32, #tpu.memory_space<vmem>>, vector<1x512xf32>
    %add3A_25 = vector.broadcast %get3A_24 : vector<1x512xf32> to vector<1000x512xf32>
    %add3A_26 = arith.addf %dot_general3A_21, %add3A_25 : vector<1000x512xf32>
    %swap3A = arith.constant 0 : index
    %swap3A_27 = arith.constant 0 : index
    %swap3A_28 = vector.load %arg7[%swap3A, %swap3A_27] : memref<1000x512xf32, #tpu.memory_space<vmem>>, vector<1000x512xf32>
    tpu.vector_store %arg7[%swap3A, %swap3A_27], %add3A_26 {strides = array<i32>} : memref<1000x512xf32, #tpu.memory_space<vmem>>, vector<1000x512xf32>,
    %eq3A = arith.constant 0 : i32
    %eq3A_29 = arith.cmpi eq, %arg0, %eq3A : i32
    %convert_element_type3A = arith.extui %eq3A_29 : i1 to i32
    %cond3A = arith.constant 0 : i32
    %cond3A_30 = arith.cmpi ne, %convert_element_type3A, %cond3A : i32
    scf.if %cond3A_30 {
      %broadcast_in_dim3A_46 = arith.constant 0.000000e+00 : f32
      %broadcast_in_dim3A_47 = vector.broadcast %broadcast_in_dim3A_46 : f32 to vector<8x512xf32>
      %swap3A_48 = arith.constant 0 : index
      %swap3A_49 = arith.constant 0 : index
      %swap3A_50 = vector.load %arg8[%swap3A_48, %swap3A_49] : memref<8x512xf32, #tpu.memory_space<vmem>>, vector<8x512xf32>
      tpu.vector_store %arg8[%swap3A_48, %swap3A_49], %broadcast_in_dim3A_47 {strides = array<i32>} : memref<8x512xf32, #tpu.memory_space<vmem>>, vector<8x512xf32>,
    } else {
    }
    %reduce_sum3A = arith.constant dense<0.000000e+00> : vector<512xf32>
    %reduce_sum3A_31 = vector.multi_reduction <add>, %add3A_26, %reduce_sum3A [0] : vector<1000x512xf32> to vector<512xf32>
    %broadcast_in_dim3A = vector.shape_cast %reduce_sum3A_31 : vector<512xf32> to vector<1x512xf32>
    %mul3A_32 = arith.mulf %add3A_26, %add3A_26 : vector<1000x512xf32>
    %reduce_sum3A_33 = arith.constant dense<0.000000e+00> : vector<512xf32>
    %reduce_sum3A_34 = vector.multi_reduction <add>, %mul3A_32, %reduce_sum3A_33 [0] : vector<1000x512xf32> to vector<512xf32>
    %broadcast_in_dim3A_35 = vector.shape_cast %reduce_sum3A_34 : vector<512xf32> to vector<1x512xf32>
    %broadcast_in_dim3A_36 = arith.constant 0.000000e+00 : f32
    %broadcast_in_dim3A_37 = vector.broadcast %broadcast_in_dim3A_36 : f32 to vector<6x512xf32>
    %concatenate3A_38 = tpu.concatenate %broadcast_in_dim3A, %broadcast_in_dim3A_35, %broadcast_in_dim3A_37 in 0 : vector<1x512xf32>, vector<1x512xf32>, vector<6x512xf32> -> vector<8x512xf32>
    %get3A_39 = arith.constant 0 : index
    %get3A_40 = arith.constant 0 : index
    %get3A_41 = vector.load %arg8[%get3A_39, %get3A_40] : memref<8x512xf32, #tpu.memory_space<vmem>>, vector<8x512xf32>
    %add3A_42 = arith.addf %get3A_41, %concatenate3A_38 : vector<8x512xf32>
    %swap3A_43 = arith.constant 0 : index
    %swap3A_44 = arith.constant 0 : index
    %swap3A_45 = vector.load %arg8[%swap3A_43, %swap3A_44] : memref<8x512xf32, #tpu.memory_space<vmem>>, vector<8x512xf32>
    tpu.vector_store %arg8[%swap3A_43, %swap3A_44], %add3A_42 {strides = array<i32>} : memref<8x512xf32, #tpu.memory_space<vmem>>, vector<8x512xf32>,
    return
  }
  func.func @transform_0(%arg0: i32) -> (i32, i32) {
    %c0_i32 = arith.constant 0 : i32
    %c0_i32_0 = arith.constant 0 : i32
    %c0_i32_1 = arith.constant 0 : i32
    return %c0_i32, %c0_i32_0 : i32, i32
  }
  func.func @transform_1(%arg0: i32) -> (i32, i32) {
    %c0_i32 = arith.constant 0 : i32
    %c0_i32_0 = arith.constant 0 : i32
    return %arg0, %c0_i32 : i32, i32
  }
  func.func @transform_2(%arg0: i32) -> (i32, i32, i32) {
    %c0_i32 = arith.constant 0 : i32
    %c0_i32_0 = arith.constant 0 : i32
    %c0_i32_1 = arith.constant 0 : i32
    return %c0_i32, %arg0, %c0_i32_0 : i32, i32, i32
  }
  func.func @transform_3(%arg0: i32) -> (i32, i32, i32) {
    %c1_i32 = arith.constant 1 : i32
    %c0_i32 = arith.constant 0 : i32
    %c0_i32_0 = arith.constant 0 : i32
    return %c1_i32, %arg0, %c0_i32 : i32, i32, i32
  }
  func.func @transform_4(%arg0: i32) -> (i32, i32) {
    %c0_i32 = arith.constant 0 : i32
    %c0_i32_0 = arith.constant 0 : i32
    %c0_i32_1 = arith.constant 0 : i32
    return %c0_i32, %c0_i32_0 : i32, i32
  }
  func.func @transform_5(%arg0: i32) -> (i32, i32) {
    %c0_i32 = arith.constant 0 : i32
    %c0_i32_0 = arith.constant 0 : i32
    %c0_i32_1 = arith.constant 0 : i32
    return %c0_i32, %c0_i32_0 : i32, i32
  }
  func.func @transform_6(%arg0: i32) -> (i32, i32) {
    %c0_i32 = arith.constant 0 : i32
    %c0_i32_0 = arith.constant 0 : i32
    return %arg0, %c0_i32 : i32, i32
  }
  func.func @transform_7(%arg0: i32) -> (i32, i32) {
    %c0_i32 = arith.constant 0 : i32
    %c0_i32_0 = arith.constant 0 : i32
    %c0_i32_1 = arith.constant 0 : i32
    return %c0_i32, %c0_i32_0 : i32, i32
  }
}

module attributes {stable_mosaic.version = 14 : i64} {
  func.func @_mlp2_body(%arg0: i32, %arg1: memref<1000x512xf32, #tpu.memory_space<vmem>>, %arg2: memref<8x512xf32, #tpu.memory_space<vmem>>, %arg3: memref<1x512xf32, #tpu.memory_space<vmem>>, %arg4: memref<1x512xf32, #tpu.memory_space<vmem>>, %arg5: memref<512x256xf32, #tpu.memory_space<vmem>>, %arg6: memref<1x256xf32, #tpu.memory_space<vmem>>, %arg7: memref<1000x256xf32, #tpu.memory_space<vmem>>) attributes {dimension_semantics = [#tpu.dimension_semantics<arbitrary>], iteration_bounds = array<i64: 10>, scalar_prefetch = 0 : i64, scratch_operands = 0 : i64, tpu.core_type = #tpu.core_type<tc>, window_params = [{transform_indices = @transform_0, window_bounds = array<i64: 1000, 512>}, {pipeline_mode = #tpu.pipeline_mode<synchronous>, transform_indices = @transform_1, window_bounds = array<i64: 8, 512>}, {pipeline_mode = #tpu.pipeline_mode<synchronous>, transform_indices = @transform_2, window_bounds = array<i64: 1, 512>}, {pipeline_mode = #tpu.pipeline_mode<synchronous>, transform_indices = @transform_3, window_bounds = array<i64: 1, 512>}, {pipeline_mode = #tpu.pipeline_mode<synchronous>, transform_indices = @transform_4, window_bounds = array<i64: 512, 256>}, {pipeline_mode = #tpu.pipeline_mode<synchronous>, transform_indices = @transform_5, window_bounds = array<i64: 1, 256>}, {transform_indices = @transform_6, window_bounds = array<i64: 1000, 256>}]} {
    %get3A = arith.constant 0 : index
    %get3A_0 = arith.constant 0 : index
    %get3A_1 = vector.load %arg2[%get3A, %get3A_0] : memref<8x512xf32, #tpu.memory_space<vmem>>, vector<1x512xf32>
    %mul3A = arith.constant 9.99999974E-5 : f32
    %mul3A_2 = vector.broadcast %mul3A : f32 to vector<1x512xf32>
    %mul3A_3 = arith.mulf %get3A_1, %mul3A_2 : vector<1x512xf32>
    %get3A_4 = arith.constant 1 : index
    %get3A_5 = arith.constant 0 : index
    %get3A_6 = vector.load %arg2[%get3A_4, %get3A_5] : memref<8x512xf32, #tpu.memory_space<vmem>>, vector<1x512xf32>
    %mul3A_7 = arith.constant 9.99999974E-5 : f32
    %mul3A_8 = vector.broadcast %mul3A_7 : f32 to vector<1x512xf32>
    %mul3A_9 = arith.mulf %get3A_6, %mul3A_8 : vector<1x512xf32>
    %mul3A_10 = arith.mulf %mul3A_3, %mul3A_3 : vector<1x512xf32>
    %sub3A = arith.subf %mul3A_9, %mul3A_10 : vector<1x512xf32>
    %add3A = arith.constant 9.99999974E-6 : f32
    %add3A_11 = vector.broadcast %add3A : f32 to vector<1x512xf32>
    %add3A_12 = arith.addf %sub3A, %add3A_11 : vector<1x512xf32>
    %rsqrt3A = math.rsqrt %add3A_12 : vector<1x512xf32>
    %get3A_13 = arith.constant 0 : index
    %get3A_14 = arith.constant 0 : index
    %get3A_15 = vector.load %arg1[%get3A_13, %get3A_14] : memref<1000x512xf32, #tpu.memory_space<vmem>>, vector<1000x512xf32>
    %sub3A_16 = vector.broadcast %mul3A_3 : vector<1x512xf32> to vector<1000x512xf32>
    %sub3A_17 = arith.subf %get3A_15, %sub3A_16 : vector<1000x512xf32>
    %get3A_18 = arith.constant 0 : index
    %get3A_19 = arith.constant 0 : index
    %get3A_20 = vector.load %arg3[%get3A_18, %get3A_19] : memref<1x512xf32, #tpu.memory_space<vmem>>, vector<1x512xf32>
    %mul3A_21 = arith.mulf %rsqrt3A, %get3A_20 : vector<1x512xf32>
    %mul3A_22 = vector.broadcast %mul3A_21 : vector<1x512xf32> to vector<1000x512xf32>
    %mul3A_23 = arith.mulf %sub3A_17, %mul3A_22 : vector<1000x512xf32>
    %get3A_24 = arith.constant 0 : index
    %get3A_25 = arith.constant 0 : index
    %get3A_26 = vector.load %arg4[%get3A_24, %get3A_25] : memref<1x512xf32, #tpu.memory_space<vmem>>, vector<1x512xf32>
    %add3A_27 = vector.broadcast %get3A_26 : vector<1x512xf32> to vector<1000x512xf32>
    %add3A_28 = arith.addf %mul3A_23, %add3A_27 : vector<1000x512xf32>
    %max3A = arith.constant 0.000000e+00 : f32
    %max3A_29 = vector.broadcast %max3A : f32 to vector<1000x512xf32>
    %max3A_30 = arith.maximumf %add3A_28, %max3A_29 : vector<1000x512xf32>
    %get3A_31 = arith.constant 0 : index
    %get3A_32 = arith.constant 0 : index
    %get3A_33 = vector.load %arg5[%get3A_31, %get3A_32] : memref<512x256xf32, #tpu.memory_space<vmem>>, vector<512x256xf32>
    %dot_general3A = arith.constant dense<0.000000e+00> : vector<1000x256xf32>
    %dot_general3A_34 = tpu.matmul %max3A_30, %get3A_33, %dot_general3A {dimension_numbers = #tpu.dot_dimension_numbers<[1], [0], [0], [1], [0, 0, 1, 1], [], []>, transpose_lhs_hint = false} : vector<1000x512xf32>, vector<512x256xf32>, vector<1000x256xf32> -> vector<1000x256xf32>
    %get3A_35 = arith.constant 0 : index
    %get3A_36 = arith.constant 0 : index
    %get3A_37 = vector.load %arg6[%get3A_35, %get3A_36] : memref<1x256xf32, #tpu.memory_space<vmem>>, vector<1x256xf32>
    %add3A_38 = vector.broadcast %get3A_37 : vector<1x256xf32> to vector<1000x256xf32>
    %add3A_39 = arith.addf %dot_general3A_34, %add3A_38 : vector<1000x256xf32>
    %swap3A = arith.constant 0 : index
    %swap3A_40 = arith.constant 0 : index
    %swap3A_41 = vector.load %arg7[%swap3A, %swap3A_40] : memref<1000x256xf32, #tpu.memory_space<vmem>>, vector<1000x256xf32>
    tpu.vector_store %arg7[%swap3A, %swap3A_40], %add3A_39 {strides = array<i32>} : memref<1000x256xf32, #tpu.memory_space<vmem>>, vector<1000x256xf32>,
    return
  }
  func.func @transform_0(%arg0: i32) -> (i32, i32) {
    %c0_i32 = arith.constant 0 : i32
    %c0_i32_0 = arith.constant 0 : i32
    return %arg0, %c0_i32 : i32, i32
  }
  func.func @transform_1(%arg0: i32) -> (i32, i32) {
    %c0_i32 = arith.constant 0 : i32
    %c0_i32_0 = arith.constant 0 : i32
    %c0_i32_1 = arith.constant 0 : i32
    return %c0_i32, %c0_i32_0 : i32, i32
  }
  func.func @transform_2(%arg0: i32) -> (i32, i32) {
    %c0_i32 = arith.constant 0 : i32
    %c0_i32_0 = arith.constant 0 : i32
    %c0_i32_1 = arith.constant 0 : i32
    return %c0_i32, %c0_i32_0 : i32, i32
  }
  func.func @transform_3(%arg0: i32) -> (i32, i32) {
    %c0_i32 = arith.constant 0 : i32
    %c0_i32_0 = arith.constant 0 : i32
    %c0_i32_1 = arith.constant 0 : i32
    return %c0_i32, %c0_i32_0 : i32, i32
  }
  func.func @transform_4(%arg0: i32) -> (i32, i32) {
    %c0_i32 = arith.constant 0 : i32
    %c0_i32_0 = arith.constant 0 : i32
    %c0_i32_1 = arith.constant 0 : i32
    return %c0_i32, %c0_i32_0 : i32, i32
  }
  func.func @transform_5(%arg0: i32) -> (i32, i32) {
    %c0_i32 = arith.constant 0 : i32
    %c0_i32_0 = arith.constant 0 : i32
    %c0_i32_1 = arith.constant 0 : i32
    return %c0_i32, %c0_i32_0 : i32, i32
  }
  func.func @transform_6(%arg0: i32) -> (i32, i32) {
    %c0_i32 = arith.constant 0 : i32
    %c0_i32_0 = arith.constant 0 : i32
    return %arg0, %c0_i32 : i32, i32
  }
}

</mosaic_0001>

<sc_bundles>
// kernel: kernel.5.cloned.1.call-start
scs
__scs_entry_jumppad:
0x0: {  	(pc) =	sbr.rel $0x88, $3  }
0x1: {  	(tag) =	ssettag $0x0;
	lr =	simm.s32 $0x1  }
0x2: {  	[smem:$0x3F95] =	sst lr;
	_ =	strace $0xD0000000  }
0x3: {  	_ = 	snop  }
0x4: {  	_ = 	snop  }
0x5: {  	_ = 	snop  }
0x6: {  	_ = 	snop  }
0x7: {  	_ = 	snop  }
__scs_overlays_trampoline_lowered:
0x8: {  	[smem:$0x3FA4] =	sst s0  }
0x9: {  	[smem:$0x3FA5] =	sst s1  }
0xa: {  	[smem:$0x3FA6] =	sst s2  }
0xb: {  	[smem:$0x3FA7] =	sst s3  }
0xc: {  	[smem:$0x3FA8] =	sst s4  }
0xd: {  	[smem:$0x3FA9] =	sst s5  }
0xe: {  	[smem:$0x3FAA] =	sst s6  }
0xf: {  	[smem:$0x3FAB] =	sst s7  }
0x10: {  	[smem:$0x3FAC] =	sst s8  }
0x11: {  	[smem:$0x3FAD] =	sst s9;
	s0 =	simm.s32 @!p0 $0x0  }
0x12: {  	s1 =	sld [smem:$0x3F93];
	s0 =	simm.s32 @p0 $0x1  }
0x13: {  	[smem:$0x3FAE] =	sst s0;
	s0 =	simm.s32 @!p1 $0x0  }
0x14: {  	s2 =	sld [smem:$0x3F92];
	s0 =	simm.s32 @p1 $0x1  }
0x15: {  	[smem:$0x3FAF] =	sst s0;
	s0 =	simm.s32 @!p2 $0x0  }
0x16: {  	s3 =	sld [smem:$0x3FDB];
	s0 =	simm.s32 @p2 $0x1  }
0x17: {  	s4 =	simm.s32 $0x1BF5;
	[smem:$0x3FB1] =	sst s0  }
0x18: {  	s0 =	sld [smem:$0x3F94];
	_ =	swait.ge [sflag:s4], $0x0  }
0x19: {  	s7 =	sld [smem:$0x3F95]  }
0x1a: {  	s8 =	sadd.s32 $0xFFFFE003, lr  }
0x1b: {  	s9 =	sadd.s32 $0xFFFFFEF7, lr;
	s5 =	simm.s32 $0xFFFFFFFF;
	p2 =	slt.u32 s8, $0xFFFFF086  }
0x1c: {  	p1 =	slt.u32 s9, $0xF7A;
	s5 =	simm.s32 @!p2 $0x0  }
0x1d: {  	s5 =	simm.s32 @p1 $0x1;
	p0 =	seq.s32 s7, s2  }
0x1e: {  	s7 =	smul.u32 @!p0 $0xF7A, s2;
	p2 =	seq.s32 @!p0 s5, $0x0  }
0x1f: {  	s9 =	smul.u32 $0xF7A, s1;
	s8 =	simm.s32 @!p0 $0x1BF5;
	p2 =	por !p2, p0  }
0x20: {  	[sflag:s8] =	ssyncset.s32 @!p0 $0xFFFFF086;
	s6 =	sadd.s32 @!p0 s3, s7;
	s7 =	simm.s32 @!p0 $0x108  }
0x21: {  	s3 =	sadd.s32 s3, s9;
	s6 =	sadd.s32 @!p0 $0x88, s6;
	s7 =	simm.s32 @p2 $0x1082  }
0x22: {  	[simem:s7], [sflag:s8] =	dma.local @!p0 [hbm:s6], $0xF7A  }
0x23: {  	s9 =	sor.u32 $0xD0000000, s2;
	s6 =	simm.s32 $0x108;
	_ =	swait.ge @!p0 [sflag:s8], $0x0  }
0x24: {  	s3 =	sadd.s32 $0x88, s3;
	s6 =	simm.s32 @!p1 $0x1082;
	[sflag:s4] =	ssyncset.s32 $0xFFFFF086  }
0x25: {  	[simem:s6], [sflag:s4] =	dma.local [hbm:s3], $0xF7A  }
0x26: {  	[smem:$0x3F95] =	sst s1;
	(tag) =	ssettag s2;
	_ =	strace s9  }
0x27: {  	s1 =	sld [smem:$0x3FA5]  }
0x28: {  	s2 =	sld [smem:$0x3FA6]  }
0x29: {  	s4 =	sld [smem:$0x3FA8]  }
0x2a: {  	p0 =	seq.s32 s5, $0x0;
	s5 =	sld [smem:$0x3FA9]  }
0x2b: {  	s6 =	sld [smem:$0x3FAA]  }
0x2c: {  	s7 =	sld [smem:$0x3FAB]  }
0x2d: {  	s3 =	simm.s32 $0x108;
	s8 =	sld [smem:$0x3FAC]  }
0x2e: {  	s3 =	simm.s32 @!p0 $0x1082;
	s9 =	sld [smem:$0x3FAD]  }
0x2f: {  	lr =	sadd.s32 s0, s3;
	s0 =	sld [smem:$0x3FA4]  }
0x30: {  	s3 =	sld [smem:$0x3FA7]  }
0x31: {  	[smem:$0x3FB0] =	sst s10  }
0x32: {  	s10 =	sld [smem:$0x3FAE];
	_ =	sdelay $0x3  }
0x33: {  	p0 =	seq.s32 s10, $0x1;
	s10 =	sld [smem:$0x3FB0];
	_ =	sdelay $0x3  }
0x34: {  	[smem:$0x3FB0] =	sst s10  }
0x35: {  	s10 =	sld [smem:$0x3FAF];
	_ =	sdelay $0x3  }
0x36: {  	p1 =	seq.s32 s10, $0x1;
	s10 =	sld [smem:$0x3FB0];
	_ =	sdelay $0x3  }
0x37: {  	[smem:$0x3FB0] =	sst s10  }
0x38: {  	s10 =	sld [smem:$0x3FB1]  }
0x39: {  	_ = 	snop;
	(pc) =	sbr.ind lr, $3  }
0x3a: {  	_ = 	snop  }
0x3b: {  	_ = 	snop  }
0x3c: {  	p2 =	seq.s32 s10, $0x1;
	s10 =	sld [smem:$0x3FB0]  }
0x3d: {  	_ =	shalt  }
0x3e: {  	_ =	shalt  }
0x3f: {  	_ =	shalt  }
0x40: {  	_ =	shalt  }
0x41: {  	_ =	shalt  }
0x42: {  	_ =	shalt  }
0x43: {  	_ =	shalt  }
0x44: {  	_ =	shalt  }
0x45: {  	_ =	shalt  }
0x46: {  	_ =	shalt  }
0x47: {  	_ =	shalt  }
0x48: {  	_ =	shalt  }
0x49: {  	_ =	shalt  }
0x4a: {  	_ =	shalt  }
0x4b: {  	_ =	shalt  }
0x4c: {  	_ =	shalt  }
0x4d: {  	_ =	shalt  }
0x4e: {  	_ =	shalt  }
0x4f: {  	_ =	shalt  }
0x50: {  	_ =	shalt  }
0x51: {  	_ =	shalt  }
0x52: {  	_ =	shalt  }
0x53: {  	_ =	shalt  }
0x54: {  	_ =	shalt  }
0x55: {  	_ =	shalt  }
0x56: {  	_ =	shalt  }
0x57: {  	_ =	shalt  }
0x58: {  	_ =	shalt  }
0x59: {  	_ =	shalt  }
0x5a: {  	_ =	shalt  }
0x5b: {  	_ =	shalt  }
0x5c: {  	_ =	shalt  }
0x5d: {  	_ =	shalt  }
0x5e: {  	_ =	shalt  }
0x5f: {  	_ =	shalt  }
0x60: {  	_ =	shalt  }
0x61: {  	_ =	shalt  }
0x62: {  	_ =	shalt  }
0x63: {  	_ =	shalt  }
0x64: {  	_ =	shalt  }
0x65: {  	_ =	shalt  }
0x66: {  	_ =	shalt  }
0x67: {  	_ =	shalt  }
0x68: {  	_ =	shalt  }
0x69: {  	_ =	shalt  }
0x6a: {  	_ =	shalt  }
0x6b: {  	_ =	shalt  }
0x6c: {  	_ =	shalt  }
0x6d: {  	_ =	shalt  }
0x6e: {  	_ =	shalt  }
0x6f: {  	_ =	shalt  }
0x70: {  	_ =	shalt  }
0x71: {  	_ =	shalt  }
0x72: {  	_ =	shalt  }
0x73: {  	_ =	shalt  }
0x74: {  	_ =	shalt  }
0x75: {  	_ =	shalt  }
0x76: {  	_ =	shalt  }
0x77: {  	_ =	shalt  }
0x78: {  	_ =	shalt  }
0x79: {  	_ =	shalt  }
0x7a: {  	_ =	shalt  }
0x7b: {  	_ =	shalt  }
0x7c: {  	_ =	shalt  }
0x7d: {  	_ =	shalt  }
0x7e: {  	_ =	shalt  }
0x7f: {  	_ =	shalt  }
0x80: {  	_ =	shalt  }
0x81: {  	_ =	shalt  }
0x82: {  	_ =	shalt  }
0x83: {  	_ =	shalt  }
0x84: {  	_ =	shalt  }
0x85: {  	_ =	shalt  }
0x86: {  	_ =	shalt  }
0x87: {  	_ =	shalt  }
.Lfunc_end0:
.L_simem_size_0:
called_computation_lowered:
.L_overlay_start_0:
0x88: {  	s2 =	sld [smem:$0x3FD9]  }
0x89: {  	s3 =	sld [smem:$0x3FFE];
	_ =	sdelay $0x1  }
0x8a: {  	s1 =	srdreg.scid  }
0x8b: {  	s0 =	sand.u32 $0x1, s1  }
0x8c: {  	s17 =	sshll.u32 s0, $0xA;
	s2 =	sadd.s32 s3, s2  }
0x8d: {  	s2 =	sadd.s32 s2, s17  }
0x8e: {  	[smem:$0x3FBC] =	sst s2  }
0x8f: {  	_ = 	snop  }
0x90: {  	s2 =	sld [smem:$0x3FC5]  }
0x91: {  	s18 =	sld [smem:$0x3FD0];
	(tm) =	ssettm $0x1  }
0x92: {  	s4 =	sld [smem:$0x3FFB];
	_ =	sdelay $0x3  }
0x93: {  	_ =	strace s4  }
0x94: {  	s4 =	sld [smem:$0x3FFC];
	_ =	sdelay $0x3  }
0x95: {  	_ =	strace s4  }
0x96: {  	s4 =	sld [smem:$0x3FFD];
	_ =	sdelay $0x3  }
0x97: {  	_ =	strace s4  }
0x98: {  	_ =	strace $0x8FFFFFFF  }
0x99: {  	s19 =	sld [smem:$0x3FDB];
	_ =	sdelay $0x1  }
0x9a: {  	s5 =	simm.s32 $_scs_section_size  }
0x9b: {  	s6 =	simm.s32 $_size__tile_overlayer_lowered;
	s7 =	simm.s32 $_tile_overlayer_lowered  }
0x9c: {  	s22 =	simm.s32 $0x1BFF;
	s21 =	sshll.u32 s7, $0x1;
	s4 =	sadd.s32 s5, s19  }
0x9d: {  	s8 =	simm.s32 $0x0;
	s20 =	sshll.u32 s6, $0x1;
	s6 =	sadd.s32 s21, s4  }
0x9e: {  	[timem:s8], [sflag:s22] =	dma.local [hbm:s6], s20  }
0x9f: {  	_ =	swait.ge [sflag:s22], s20  }
0xa0: {  	s5 =	ssub.s32 $0x0, s20;
	[sflag:s22] =	ssyncset.done $0x0  }
0xa1: {  	[sflag:s22] =	ssyncadd.s32 s5;
	_ =	sdelay $0x1  }
0xa2: {  	s23 =	simm.s32 $0x1B8B  }
0xa3: {  	_ =	swait.ge [sflag:s23], $0x1  }
0xa4: {  	[sflag:s23] =	ssyncset.done $0x0  }
0xa5: {  	s25 =	simm.s32 $0x1B8E;
	s24 =	sld [smem:$0x3FFE];
	[sflag:s23] =	ssyncadd.s32 $0xFFFFFFFF  }
0xa6: {  	s26 =	simm.s32 $execute0_lowered;
	[smem:$0x3FD2] =	sst s25  }
0xa7: {  	s6 =	sshll.u32 s26, $0x1;
	_ =	strace $0x80000046;
	[dreg:$0x1] =	wrdreg $0xFFFFFFFF  }
0xa8: {  	s28 =	simm.s32 $_size_execute0_lowered;
	s4 =	sadd.s32 s4, s6;
	[dreg:$0x0] =	wrdreg $0x0  }
0xa9: {  	s6 =	sshll.u32 s28, $0x1;
	[dreg:$0x2] =	wrdreg s4  }
0xaa: {  	[dreg:$0x3] =	wrdreg s6  }
0xab: {  	[dreg:$0x4] =	wrdreg $0xC0  }
0xac: {  	_ =	task [dreg:s8], $0x5FFFF  }
0xad: {  	[dreg:$0x1] =	wrdreg $0xFFFFFFFF  }
0xae: {  	[dreg:$0x0] =	wrdreg $0x60  }
0xaf: {  	[dreg:$0x2] =	wrdreg s24  }
0xb0: {  	[dreg:$0x3] =	wrdreg s2  }
0xb1: {  	[dreg:$0x4] =	wrdreg s18  }
0xb2: {  	[dreg:$0x5] =	wrdreg $0xC0800  }
0xb3: {  	[dreg:$0x6] =	wrdreg $0x9  }
0xb4: {  	_ =	task.clear_ibuf [dreg:s8], $0x7FFFF;
	_ =	strace $0x90000046  }
0xb5: {  	s29 =	simm.s32 $0x9;
	_ =	strace $0x80000048  }
0xb6: {  	_ =	swait.ge [sflag:s29], $0x1  }
0xb7: {  	[sflag:s29] =	ssyncadd.s32 $0xFFFFFFFF  }
0xb8: {  	_ =	strace $0x90000048  }
0xb9: {  	_ =	sfence  }
0xba: {  	s30 =	sld [smem:$0x0];
	_ =	sdelay $0x2  }
0xbb: {  	s31 =	sshll.u32 s1, $0xD;
	s1 =	sshrl.u32 s1, $0x2  }
0xbc: {  	s3 =	sand.u32 $0x4000, s31;
	s1 =	sadd.s32 s1, s30  }
0xbd: {  	s0 =	sor.u32 s3, s0;
	s1 =	sshll.u32 s1, $0x11  }
0xbe: {  	s0 =	sor.u32 s1, s0  }
0xbf: {  	s0 =	sadd.s32 $0x8F2B, s0  }
0xc0: {  	[sflag:s0] =	ssyncadd.remote.s32 $0x1  }
0xc1: {  	_ =	sfence.sel $0xFFFF  }
0xc2: {  	[dreg:$0x0] =	wrdreg $0xFFFFFFFF;
	(pc) =	sbr.abs _section_cstart, $3  }
0xc3: {  	[dreg:$0x1] =	wrdreg $0xFFFFFFFF  }
0xc4: {  	_ =	task.clear_ibuf [dreg:s8], $0x2FFFF;
	_ =	strace $0x9FFFFFFF  }
0xc5: {  	(tm) =	ssettm $0x7FFFFFFF  }
tec
execute0_lowered:
.L_overlay_start_1:
0x0: {  	(tag) =	ssettag $0x1  }
0x1: {  	s0 =	rddreg [dreg:$0x0]  }
0x2: {  	s9 =	rddreg [dreg:$0x1]  }
0x3: {  	s15 =	rddreg [dreg:$0x2]  }
0x4: {  	s1 =	rddreg [dreg:$0x3];
	s2 =	simm.s32 $0x0;
	s4 =	srdreg.scid  }
0x5: {  	s5 =	stileid.u32;
	s19 =	simm.s32 $0x2;
	s21 =	simm.s32 $0x5880  }
0x6: {  	s22 =	simm.s32 $0x80;
	s23 =	simm.s32 $0x50;
	s24 =	simm.s32 $0x400  }
0x7: {  	s25 =	simm.s32 $0x1;
	s28 =	simm.s32 $0x0;
	s29 =	simm.s32 $0x0  }
0x8: {  	[smem:$0x7FF] =	sst s2;
	s3 =	sadd.s32 $0x55800, s0;
	s11 =	smul.u32 $0x4E000, s5  }
0x9: {  	s14 =	sand.u32 $0x1, s4;
	s4 =	sadd.s32 $0x50800, s0;
	s18 =	smul.u32 $0x13800, s5  }
0xa: {  	s6 =	sadd.s32 $0x5A800, s0;
	s12 =	sadd.s32 $0x138000, s1;
	s13 =	smul.u32 $0x2710, s5  }
0xb: {  	_ =	strace $0x80000047;
	s7 =	ssub.s32 $0x2, s14;
	s8 =	sshll.u32 s14, $0x7  }
0xc: {  	s17 =	smul.u32 $0x138800, s14;
	s30 =	sshll.u32 s14, $0x4;
	p0 =	seq.s32 s14, $0x1  }
0xd: {  	s10 =	sshrl.u32 s7, $0x1;
	s8 =	sadd.s32 s8, s0;
	s26 =	sshrl.u32 s11, $0x2  }
0xe: {  	s9 =	sadd.s32 s9, s30;
	s16 =	ssub.s32 s7, s10;
	s7 =	sadd.s32 $0x81A00, s8  }
0xf: {  	s8 =	sadd.s32 s26, s1;
	s18 =	sadd.s32 s18, s17;
	s17 =	sshrl.u32 s17, $0x3  }
0x10: {  	s26 =	simm.s32 $0x2C00;
	s10 =	sadd.s32 $0x6800, s8;
	s31 =	sshrl.u32 s18, $0x3  }
0x11: {  	s14 =	sadd.s32 s15, s31;
	s15 =	sadd.s32 s15, s17;
	s17 =	simm.s32 $0x2400  }
0x12: {  	s11 =	sadd.s32 $0xD000, s8;
	s16 =	smax.u32 s16, $0x1;
	s17 =	simm.s32 @!p0 $0x29600  }
0x13: {  	v0 =	vimm.f32 $0.0e+00;
	s15 =	sadd.s32 $0x27000, s15;
	p0 =	sne.s32 s5, $0x0;
	s17 =	sadd.s32 s17, s0  }
.LBB2_1:
0x14: {  	s0 =	simm.s32 $0x5400  }
0x15: {  	[tilespmem:s0], [sflag:$0x2] =	stream.linear.gather [hbm4b:s7+s2], $0x380, $0x38;
	[tilespmem:$0x1F900] =	vst v63  }
0x16: {  	_ =	swait.ge [sflag:s19], $0x380  }
0x17: {  	[sflag:s19] =	ssyncset.done $0x0  }
0x18: {  	s31 =	simm.s32 $0x5800;
	[sflag:s19] =	ssyncadd.s32 $0xFFFFFC80  }
0x19: {  	[tilespmem:s31], [sflag:$0x2] =	stream.linear.gather [hbm4b:s9+s2], $0x80, $0x38;
	[tilespmem:$0x1F900] =	vst v63  }
0x1a: {  	_ =	swait.ge [sflag:s19], $0x80  }
0x1b: {  	[sflag:s19] =	ssyncset.done $0x0  }
0x1c: {  	s18 =	simm.s32 $0x200;
	s0 =	simm.s32 $0x0;
	[sflag:s19] =	ssyncadd.s32 $0xFFFFFF80  }
.LBB2_2:
0x1d: {  	p1 =	sne.s32 s18, $0x19E00;
	[tilespmem:s0+$0x58F0] =	vst v0  }
0x1e: {  	[tilespmem:s0+$0x5880] =	vst v0  }
0x1f: {  	[tilespmem:s0+$0x5890] =	vst v0  }
.Ltmp0:
0x20: {  	[tilespmem:s0+$0x58A0] =	vst v0;
	(pc) =	sbr.rel @p1 .LBB2_2-.Ltmp0, $4  }
0x21: {  	[tilespmem:s0+$0x58B0] =	vst v0  }
0x22: {  	[tilespmem:s0+$0x58C0] =	vst v0  }
0x23: {  	[tilespmem:s0+$0x58D0] =	vst v0  }
0x24: {  	[tilespmem:s0+$0x58E0] =	vst v0;
	s0 =	sshra.s32 s18, $0x2;
	s18 =	sadd.s32 $0x200, s18  }
0x25: {  	[tilespmem:s0+$0x58F0] =	vst v0  }
0x26: {  	[tilespmem:s0+$0x5880] =	vst v0  }
0x27: {  	[tilespmem:s0+$0x5890] =	vst v0  }
0x28: {  	[tilespmem:s0+$0x58A0] =	vst v0  }
0x29: {  	[tilespmem:s0+$0x58B0] =	vst v0  }
0x2a: {  	[tilespmem:s0+$0x58C0] =	vst v0  }
0x2b: {  	[tilespmem:s0+$0x58D0] =	vst v0  }
0x2c: {  	[tilespmem:s0+$0x58E0] =	vst v0  }
0x2d: {  	[spmem:s8] =	stream.linear.scatter [tilespmem:s21], [sflag:$0x2], $0x6800, $0x38;
	[tilespmem:$0x1F900] =	vst v63  }
0x2e: {  	_ =	swait.ge [sflag:s19], $0x6800  }
0x2f: {  	[sflag:s19] =	ssyncset.done $0x0  }
0x30: {  	[sflag:s19] =	ssyncadd.s32 $0xFFFF9800  }
0x31: {  	[spmem:s10] =	stream.linear.scatter [tilespmem:s21], [sflag:$0x2], $0x6800, $0x38;
	[tilespmem:$0x1F900] =	vst v63  }
0x32: {  	_ =	swait.ge [sflag:s19], $0x6800  }
0x33: {  	[sflag:s19] =	ssyncset.done $0x0  }
0x34: {  	[sflag:s19] =	ssyncadd.s32 $0xFFFF9800  }
0x35: {  	[spmem:s11] =	stream.linear.scatter [tilespmem:s21], [sflag:$0x2], $0x6800, $0x38;
	[tilespmem:$0x1F900] =	vst v63  }
0x36: {  	_ =	swait.ge [sflag:s19], $0x6800  }
0x37: {  	[sflag:s19] =	ssyncset.done $0x0  }
0x38: {  	s0 =	simm.s32 @!p0 $0x5880;
	[sflag:s19] =	ssyncadd.s32 $0xFFFF9800  }
0x39: {  	[spmem:s12] =	stream.linear.scatter @!p0 [tilespmem:s0], [sflag:$0x2], $0x800, $0x38;
	[tilespmem:$0x1F900] =	vst v63  }
0x3a: {  	s0 =	simm.s32 @!p0 $0x2  }
0x3b: {  	_ =	swait.ge @!p0 [sflag:s0], $0x800  }
0x3c: {  	[sflag:s0] =	ssyncset.done @!p0 $0x0  }
0x3d: {  	[sflag:s0] =	ssyncadd.s32 @!p0 $0xFFFFF800  }
0x3e: {  	s30 =	simm.s32 $0x0;
	[bflag:$0x0] =	sbarrier.arrive $0xFFFF  }
.LBB2_4:
0x3f: {  	s0 =	smul.u32 $0x50, s30;
	_ =	sdelay $0x1  }
0x40: {  	s0 =	sadd.s32 s13, s0  }
0x41: {  	s18 =	sshrl.u32 s0, $0x3  }
0x42: {  	s20 =	sadd.s32 s3, s18  }
0x43: {  	[tilespmem:s29], [sflag:$0x2] =	stream.linear.gather [hbm4b:s20+s29], $0x50, $0x38;
	[tilespmem:$0x1F900] =	vst v63  }
0x44: {  	_ =	swait.ge [sflag:s19], $0x50  }
0x45: {  	[sflag:s19] =	ssyncset.done $0x0  }
0x46: {  	s18 =	sadd.s32 s4, s18;
	[sflag:s19] =	ssyncadd.s32 $0xFFFFFFB0  }
0x47: {  	[tilespmem:s22], [sflag:$0x2] =	stream.linear.gather [hbm4b:s18+s29], $0x50, $0x38;
	[tilespmem:$0x1F900] =	vst v63  }
0x48: {  	_ =	swait.ge [sflag:s19], $0x50  }
0x49: {  	[sflag:s19] =	ssyncset.done $0x0  }
0x4a: {  	s31 =	simm.s32 $0x100;
	s0 =	sadd.s32 s6, s0;
	[sflag:s19] =	ssyncadd.s32 $0xFFFFFFB0  }
0x4b: {  	[tilespmem:s31], [sflag:$0x2] =	stream.linear.gather [hbm4b:s0+s29], $0x280, $0x38;
	[tilespmem:$0x1F900] =	vst v63  }
0x4c: {  	_ =	swait.ge [sflag:s19], $0x280  }
0x4d: {  	[sflag:s19] =	ssyncset.done $0x0  }
0x4e: {  	[sflag:s19] =	ssyncadd.s32 $0xFFFFFD80  }
0x4f: {  	[tilespmem:s24], [sflag:$0x1] =	stream.indirect.gather [hbm4b:s17+s23], $0x80, s29, s23, $0xb8;
	[tilespmem:$0x1F900] =	vst v63  }
0x50: {  	_ =	swait.ge [sflag:s25], $0x2800  }
0x51: {  	[sflag:s25] =	ssyncset.done $0x0  }
0x52: {  	[sflag:s25] =	ssyncadd.s32 $0xFFFFD800  }
0x53: {  	v1 =	vld [tilespmem:$0x5400]  }
0x54: {  	v2 =	vld [tilespmem:$0x5410]  }
0x55: {  	v3 =	vld [tilespmem:$0x5420]  }
0x56: {  	v4 =	vld [tilespmem:$0x5430]  }
0x57: {  	v5 =	vld [tilespmem:$0x5480]  }
0x58: {  	v6 =	vld [tilespmem:$0x5490]  }
0x59: {  	v7 =	vld [tilespmem:$0x54A0]  }
0x5a: {  	v8 =	vld [tilespmem:$0x54B0]  }
0x5b: {  	v9 =	vld [tilespmem:$0x5500]  }
0x5c: {  	v10 =	vld [tilespmem:$0x5510]  }
0x5d: {  	v28 =	vld [tilespmem:s31+$0x0]  }
0x5e: {  	v11 =	vld [tilespmem:$0x5520]  }
0x5f: {  	v12 =	vld [tilespmem:$0x5530]  }
0x60: {  	v13 =	vld [tilespmem:$0x55B0]  }
0x61: {  	v14 =	vld [tilespmem:$0x5600]  }
0x62: {  	v15 =	vld [tilespmem:$0x5620];
	v23 =	vbroadcast v28, $0x0  }
0x63: {  	v17 =	vld [tilespmem:$0x5820];
	v24 =	vbroadcast v28, $0x2;
	v30 =	vbroadcast v28, $0x3  }
0x64: {  	v16 =	vld [tilespmem:$0x5810];
	v27 =	vbroadcast v28, $0x4;
	v35 =	vbroadcast v28, $0x1  }
0x65: {  	v19 =	vld [tilespmem:$0x5830];
	v31 =	vmul.f32 v24, v9;
	v32 =	vmul.f32 v24, v11  }
0x66: {  	v18 =	vld [tilespmem:$0x5800];
	v22 =	vmul.f32 v23, v2;
	v25 =	vmul.f32 v23, v3  }
0x67: {  	v20 =	vld [tilespmem:$0x5590];
	v26 =	vmul.f32 v23, v1;
	v34 =	vmul.f32 v24, v12  }
0x68: {  	v21 =	vld [tilespmem:$0x5630];
	v40 =	vmul.f32 v27, v14;
	v37 =	vadd.f32 v25, v17;
	v25 =	vmul.f32 v23, v4  }
0x69: {  	v33 =	vmul.f32 v27, v15;
	v39 =	vmul.f32 v24, v10;
	v24 =	vld [tilespmem:$0x55A0]  }
0x6a: {  	v38 =	vmul.f32 v35, v5;
	v41 =	vmul.f32 v35, v8;
	v23 =	vld [tilespmem:$0x5580];
	v25 =	vadd.f32 v25, v19  }
0x6b: {  	v43 =	vmul.f32 v35, v6;
	v36 =	vadd.f32 v22, v16;
	v22 =	vld [tilespmem:$0x5610];
	v29 =	vadd.f32 v26, v18  }
0x6c: {  	v42 =	vmul.f32 v30, v13;
	v45 =	vmul.f32 v35, v7;
	v26 =	vld [tilespmem:$0x5680];
	v41 =	vadd.f32 v25, v41  }
0x6d: {  	v44 =	vmul.f32 v30, v20;
	v38 =	vadd.f32 v29, v38;
	v29 =	vld [tilespmem:$0x56B0];
	v43 =	vadd.f32 v36, v43  }
0x6e: {  	v46 =	vmul.f32 v27, v21;
	v45 =	vadd.f32 v37, v45;
	v25 =	vld [tilespmem:$0x5690];
	v60 =	vadd.f32 v41, v34  }
0x6f: {  	v38 =	vadd.f32 v38, v31;
	v31 =	vld [tilespmem:$0x5700];
	v61 =	vadd.f32 v43, v39;
	v47 =	vmul.f32 v30, v23  }
0x70: {  	v36 =	vbroadcast v28, $0x5;
	v63 =	vadd.f32 v60, v42;
	v42 =	vadd.f32 v45, v32;
	v32 =	vld [tilespmem:$0x5730]  }
0x71: {  	v39 =	vmul.f32 v30, v24;
	v35 =	vmul.f32 v27, v22;
	v27 =	vld [tilespmem:$0x56A0];
	v62 =	vadd.f32 v38, v47  }
0x72: {  	v30 =	vld [tilespmem:$0x5720];
	v43 =	vmul.f32 v36, v26;
	v34 =	vbroadcast v28, $0x6;
	v37 =	vadd.f32 v61, v44  }
0x73: {  	s20 =	simm.s32 $0x0;
	s0 =	simm.s32 $0x200;
	v28 =	vld [tilespmem:$0x5710];
	v38 =	vmul.f32 v36, v29;
	v41 =	vadd.f32 v62, v40;
	v40 =	vadd.f32 v63, v46  }
.LBB2_5:
0x74: {  	p1 =	sne.s32 s0, $0x9E00  }
0x75: {  	v44 =	vmul.f32 v34, v31;
	v45 =	vld [tilespmem:s20+$0x400];
	v39 =	vadd.f32 v42, v39;
	v42 =	vmul.f32 v34, v32;
	s31 =	sadd.s32 $0x8, s31;
	s18 =	smov.u32 s0;
	s0 =	sadd.s32 $0x200, s0  }
0x76: {  	v41 =	vadd.f32 v41, v43;
	v43 =	vmul.f32 v36, v27;
	v38 =	vadd.f32 v40, v38;
	v40 =	vld [tilespmem:s20+$0x430]  }
0x77: {  	v35 =	vadd.f32 v37, v35;
	v36 =	vmul.f32 v36, v25;
	v33 =	vadd.f32 v39, v33;
	v37 =	vld [tilespmem:s20+$0x420]  }
0x78: {  	v39 =	vadd.f32 v41, v44;
	v41 =	vld [tilespmem:s20+$0x410];
	v44 =	vmul.f32 v34, v30;
	v38 =	vadd.f32 v38, v42  }
0x79: {  	v35 =	vadd.f32 v35, v36;
	v34 =	vmul.f32 v34, v28;
	v33 =	vadd.f32 v33, v43  }
0x7a: {  	v36 =	vadd.f32 v39, v45  }
0x7b: {  	v34 =	vadd.f32 v35, v34;
	v33 =	vadd.f32 v33, v44  }
0x7c: {  	v35 =	vmax.f32 v36, $0.0e+00;
	v36 =	vadd.f32 v38, v40  }
0x7d: {  	[tilespmem:s20+$0x2C00] =	vst v35;
	v34 =	vadd.f32 v34, v41;
	v33 =	vadd.f32 v33, v37  }
0x7e: {  	v35 =	vmax.f32 v36, $0.0e+00  }
0x7f: {  	v34 =	vmax.f32 v34, $0.0e+00;
	v33 =	vmax.f32 v33, $0.0e+00;
	[tilespmem:s20+$0x2C30] =	vst v35  }
0x80: {  	[tilespmem:s20+$0x2C10] =	vst v34  }
0x81: {  	[tilespmem:s20+$0x2C20] =	vst v33  }
0x82: {  	v34 =	vld [tilespmem:s31+$0x0];
	_ =	sdelay $0x4  }
0x83: {  	v35 =	vbroadcast v34, $0x0;
	v36 =	vbroadcast v34, $0x2  }
0x84: {  	v37 =	vbroadcast v34, $0x3;
	v38 =	vbroadcast v34, $0x4  }
0x85: {  	v39 =	vmul.f32 v36, v9;
	v40 =	vmul.f32 v36, v11  }
0x86: {  	v33 =	vmul.f32 v35, v2;
	v41 =	vmul.f32 v35, v3  }
0x87: {  	v42 =	vmul.f32 v35, v1;
	v43 =	vmul.f32 v36, v12  }
0x88: {  	v44 =	vbroadcast v34, $0x1;
	v45 =	vmul.f32 v38, v14;
	v46 =	vadd.f32 v33, v16  }
0x89: {  	v35 =	vmul.f32 v35, v4;
	v41 =	vadd.f32 v41, v17;
	v33 =	vmul.f32 v38, v15  }
0x8a: {  	v47 =	vmul.f32 v44, v5;
	v48 =	vmul.f32 v36, v10;
	v42 =	vadd.f32 v42, v18  }
0x8b: {  	v36 =	vmul.f32 v44, v8;
	v49 =	vmul.f32 v37, v13;
	v35 =	vadd.f32 v35, v19  }
0x8c: {  	v50 =	vmul.f32 v37, v20;
	v42 =	vadd.f32 v42, v47;
	v47 =	vmul.f32 v44, v6  }
0x8d: {  	v51 =	vmul.f32 v38, v21;
	v44 =	vmul.f32 v44, v7;
	v36 =	vadd.f32 v35, v36  }
0x8e: {  	v35 =	vmul.f32 v38, v22;
	v39 =	vadd.f32 v42, v39;
	v42 =	vadd.f32 v46, v47  }
.Ltmp1:
0x8f: {  	v38 =	vmul.f32 v37, v23;
	v41 =	vadd.f32 v41, v44;
	v43 =	vadd.f32 v36, v43;
	(pc) =	sbr.rel @p1 .LBB2_5-.Ltmp1, $4  }
0x90: {  	v36 =	vbroadcast v34, $0x5;
	v34 =	vbroadcast v34, $0x6;
	v42 =	vadd.f32 v42, v48  }
0x91: {  	v44 =	vadd.f32 v39, v38;
	v39 =	vmul.f32 v37, v24;
	v46 =	vadd.f32 v43, v49  }
0x92: {  	v38 =	vmul.f32 v36, v29;
	v37 =	vadd.f32 v42, v50;
	v42 =	vadd.f32 v41, v40  }
0x93: {  	s20 =	sshra.s32 s18, $0x2;
	v43 =	vmul.f32 v36, v26;
	v41 =	vadd.f32 v44, v45;
	v40 =	vadd.f32 v46, v51  }
0x94: {  	v1 =	vmul.f32 v34, v31;
	v2 =	vld [tilespmem:s20+$0x400];
	v3 =	vadd.f32 v42, v39;
	v4 =	vmul.f32 v34, v32  }
0x95: {  	v6 =	vld [tilespmem:s20+$0x430];
	v7 =	vadd.f32 v37, v35;
	v8 =	vmul.f32 v36, v25;
	v5 =	vadd.f32 v41, v43  }
0x96: {  	v9 =	vmul.f32 v36, v27;
	v11 =	vld [tilespmem:s20+$0x410];
	v10 =	vadd.f32 v40, v38;
	v3 =	vadd.f32 v3, v33  }
0x97: {  	v12 =	vld [tilespmem:s20+$0x420];
	v1 =	vadd.f32 v5, v1;
	v5 =	vadd.f32 v7, v8;
	v7 =	vmul.f32 v34, v28  }
0x98: {  	v8 =	vmul.f32 v34, v30;
	v4 =	vadd.f32 v10, v4;
	v3 =	vadd.f32 v3, v9  }
0x99: {  	v1 =	vadd.f32 v1, v2;
	v2 =	vadd.f32 v5, v7  }
0x9a: {  	v4 =	vadd.f32 v4, v6;
	v3 =	vadd.f32 v3, v8  }
0x9b: {  	v1 =	vmax.f32 v1, $0.0e+00;
	v2 =	vadd.f32 v2, v11  }
0x9c: {  	[tilespmem:s20+$0x2C00] =	vst v1;
	v1 =	vadd.f32 v3, v12;
	v3 =	vmax.f32 v4, $0.0e+00  }
0x9d: {  	v2 =	vmax.f32 v2, $0.0e+00;
	[tilespmem:s20+$0x2C30] =	vst v3  }
0x9e: {  	v1 =	vmax.f32 v1, $0.0e+00;
	[tilespmem:s20+$0x2C10] =	vst v2  }
0x9f: {  	[tilespmem:s20+$0x2C20] =	vst v1  }
0xa0: {  	v1 =	vld [tilespmem:$0x5440]  }
0xa1: {  	v2 =	vld [tilespmem:$0x5450]  }
0xa2: {  	v3 =	vld [tilespmem:$0x5460]  }
0xa3: {  	v4 =	vld [tilespmem:$0x5470]  }
0xa4: {  	v5 =	vld [tilespmem:$0x54C0]  }
0xa5: {  	v6 =	vld [tilespmem:$0x54D0]  }
0xa6: {  	v7 =	vld [tilespmem:$0x54E0]  }
0xa7: {  	v8 =	vld [tilespmem:$0x54F0]  }
0xa8: {  	v9 =	vld [tilespmem:$0x5540]  }
0xa9: {  	s31 =	simm.s32 $0x100;
	v10 =	vld [tilespmem:$0x5550]  }
0xaa: {  	v28 =	vld [tilespmem:s31+$0x0]  }
0xab: {  	v11 =	vld [tilespmem:$0x5560]  }
0xac: {  	v12 =	vld [tilespmem:$0x5570]  }
0xad: {  	v13 =	vld [tilespmem:$0x55F0]  }
0xae: {  	v14 =	vld [tilespmem:$0x5640]  }
0xaf: {  	v15 =	vld [tilespmem:$0x5660];
	v23 =	vbroadcast v28, $0x0;
	v24 =	vbroadcast v28, $0x2  }
0xb0: {  	v16 =	vld [tilespmem:$0x5850];
	v30 =	vbroadcast v28, $0x3;
	v27 =	vbroadcast v28, $0x4  }
0xb1: {  	v17 =	vld [tilespmem:$0x5860];
	v51 =	vbroadcast v28, $0x1;
	v36 =	vbroadcast v28, $0x5  }
0xb2: {  	v18 =	vld [tilespmem:$0x5840];
	v34 =	vbroadcast v28, $0x6;
	v31 =	vmul.f32 v24, v9  }
0xb3: {  	v19 =	vld [tilespmem:$0x5870];
	v49 =	vmul.f32 v24, v11;
	v22 =	vmul.f32 v23, v2  }
0xb4: {  	v20 =	vld [tilespmem:$0x55D0];
	v25 =	vmul.f32 v23, v3;
	v26 =	vmul.f32 v23, v1  }
0xb5: {  	v21 =	vld [tilespmem:$0x5670];
	v50 =	vmul.f32 v24, v12;
	v52 =	vmul.f32 v27, v14  }
0xb6: {  	v32 =	vld [tilespmem:$0x5770];
	v33 =	vmul.f32 v27, v15;
	v54 =	vadd.f32 v25, v17;
	v25 =	vmul.f32 v23, v4  }
0xb7: {  	v55 =	vmul.f32 v51, v5;
	v56 =	vmul.f32 v24, v10;
	v23 =	vld [tilespmem:$0x55C0]  }
0xb8: {  	v24 =	vld [tilespmem:$0x55E0];
	v57 =	vmul.f32 v51, v8;
	v29 =	vadd.f32 v26, v18;
	v25 =	vadd.f32 v25, v19  }
0xb9: {  	v58 =	vmul.f32 v30, v13;
	v59 =	vmul.f32 v51, v6;
	v53 =	vadd.f32 v22, v16;
	v22 =	vld [tilespmem:$0x5650]  }
0xba: {  	v44 =	vmul.f32 v30, v20;
	v26 =	vld [tilespmem:$0x56C0];
	v38 =	vadd.f32 v29, v55;
	v41 =	vadd.f32 v25, v57  }
0xbb: {  	v45 =	vmul.f32 v51, v7;
	v46 =	vmul.f32 v27, v21;
	v29 =	vld [tilespmem:$0x56F0];
	v43 =	vadd.f32 v53, v59  }
0xbc: {  	v28 =	vld [tilespmem:$0x5750];
	v38 =	vadd.f32 v38, v31;
	v47 =	vmul.f32 v30, v23;
	v60 =	vadd.f32 v41, v50  }
0xbd: {  	v45 =	vadd.f32 v54, v45;
	v39 =	vmul.f32 v30, v24;
	v31 =	vld [tilespmem:$0x5740];
	v61 =	vadd.f32 v43, v56  }
0xbe: {  	v35 =	vmul.f32 v27, v22;
	v27 =	vld [tilespmem:$0x56E0];
	v62 =	vadd.f32 v38, v47;
	v63 =	vadd.f32 v60, v58  }
0xbf: {  	v25 =	vld [tilespmem:$0x56D0];
	v42 =	vadd.f32 v45, v49;
	v43 =	vmul.f32 v36, v26;
	v37 =	vadd.f32 v61, v44  }
0xc0: {  	s0 =	simm.s32 $0x200;
	s20 =	simm.s32 $0x0;
	v30 =	vld [tilespmem:$0x5760];
	v38 =	vmul.f32 v36, v29;
	v41 =	vadd.f32 v62, v52;
	v40 =	vadd.f32 v63, v46  }
.LBB2_7:
0xc1: {  	p1 =	sne.s32 s0, $0x9E00  }
0xc2: {  	v44 =	vmul.f32 v34, v31;
	v45 =	vld [tilespmem:s20+$0x440];
	v39 =	vadd.f32 v42, v39;
	v42 =	vmul.f32 v34, v32;
	s31 =	sadd.s32 $0x8, s31;
	s18 =	smov.u32 s0;
	s0 =	sadd.s32 $0x200, s0  }
0xc3: {  	v41 =	vadd.f32 v41, v43;
	v43 =	vmul.f32 v36, v27;
	v38 =	vadd.f32 v40, v38;
	v40 =	vld [tilespmem:s20+$0x470]  }
0xc4: {  	v35 =	vadd.f32 v37, v35;
	v36 =	vmul.f32 v36, v25;
	v33 =	vadd.f32 v39, v33;
	v37 =	vld [tilespmem:s20+$0x460]  }
0xc5: {  	v39 =	vadd.f32 v41, v44;
	v41 =	vld [tilespmem:s20+$0x450];
	v44 =	vmul.f32 v34, v30;
	v38 =	vadd.f32 v38, v42  }
0xc6: {  	v35 =	vadd.f32 v35, v36;
	v34 =	vmul.f32 v34, v28;
	v33 =	vadd.f32 v33, v43  }
0xc7: {  	v36 =	vadd.f32 v39, v45  }
0xc8: {  	v34 =	vadd.f32 v35, v34;
	v33 =	vadd.f32 v33, v44  }
0xc9: {  	v35 =	vmax.f32 v36, $0.0e+00;
	v36 =	vadd.f32 v38, v40  }
0xca: {  	[tilespmem:s20+$0x2C40] =	vst v35;
	v34 =	vadd.f32 v34, v41;
	v33 =	vadd.f32 v33, v37  }
0xcb: {  	v35 =	vmax.f32 v36, $0.0e+00  }
0xcc: {  	v34 =	vmax.f32 v34, $0.0e+00;
	v33 =	vmax.f32 v33, $0.0e+00;
	[tilespmem:s20+$0x2C70] =	vst v35  }
0xcd: {  	[tilespmem:s20+$0x2C50] =	vst v34  }
0xce: {  	[tilespmem:s20+$0x2C60] =	vst v33  }
0xcf: {  	v34 =	vld [tilespmem:s31+$0x0];
	_ =	sdelay $0x4  }
0xd0: {  	v35 =	vbroadcast v34, $0x0;
	v36 =	vbroadcast v34, $0x2  }
0xd1: {  	v37 =	vbroadcast v34, $0x3;
	v38 =	vbroadcast v34, $0x4  }
0xd2: {  	v39 =	vmul.f32 v36, v9;
	v40 =	vmul.f32 v36, v11  }
0xd3: {  	v33 =	vmul.f32 v35, v2;
	v41 =	vmul.f32 v35, v3  }
0xd4: {  	v42 =	vmul.f32 v35, v1;
	v43 =	vmul.f32 v36, v12  }
0xd5: {  	v44 =	vbroadcast v34, $0x1;
	v45 =	vmul.f32 v38, v14;
	v46 =	vadd.f32 v33, v16  }
0xd6: {  	v35 =	vmul.f32 v35, v4;
	v41 =	vadd.f32 v41, v17;
	v33 =	vmul.f32 v38, v15  }
0xd7: {  	v47 =	vmul.f32 v44, v5;
	v48 =	vmul.f32 v36, v10;
	v42 =	vadd.f32 v42, v18  }
0xd8: {  	v36 =	vmul.f32 v44, v8;
	v49 =	vmul.f32 v37, v13;
	v35 =	vadd.f32 v35, v19  }
0xd9: {  	v50 =	vmul.f32 v37, v20;
	v42 =	vadd.f32 v42, v47;
	v47 =	vmul.f32 v44, v6  }
0xda: {  	v51 =	vmul.f32 v38, v21;
	v44 =	vmul.f32 v44, v7;
	v36 =	vadd.f32 v35, v36  }
0xdb: {  	v35 =	vmul.f32 v38, v22;
	v39 =	vadd.f32 v42, v39;
	v42 =	vadd.f32 v46, v47  }
.Ltmp2:
0xdc: {  	v38 =	vmul.f32 v37, v23;
	v41 =	vadd.f32 v41, v44;
	v43 =	vadd.f32 v36, v43;
	(pc) =	sbr.rel @p1 .LBB2_7-.Ltmp2, $4  }
0xdd: {  	v36 =	vbroadcast v34, $0x5;
	v34 =	vbroadcast v34, $0x6;
	v42 =	vadd.f32 v42, v48  }
0xde: {  	v44 =	vadd.f32 v39, v38;
	v39 =	vmul.f32 v37, v24;
	v46 =	vadd.f32 v43, v49  }
0xdf: {  	v38 =	vmul.f32 v36, v29;
	v37 =	vadd.f32 v42, v50;
	v42 =	vadd.f32 v41, v40  }
0xe0: {  	s20 =	sshra.s32 s18, $0x2;
	v43 =	vmul.f32 v36, v26;
	v41 =	vadd.f32 v44, v45;
	v40 =	vadd.f32 v46, v51  }
0xe1: {  	v1 =	vmul.f32 v34, v31;
	v2 =	vld [tilespmem:s20+$0x440];
	v3 =	vadd.f32 v42, v39;
	v4 =	vmul.f32 v34, v32  }
0xe2: {  	v6 =	vld [tilespmem:s20+$0x470];
	v7 =	vadd.f32 v37, v35;
	v8 =	vmul.f32 v36, v25;
	v5 =	vadd.f32 v41, v43  }
0xe3: {  	v9 =	vmul.f32 v36, v27;
	v11 =	vld [tilespmem:s20+$0x450];
	v10 =	vadd.f32 v40, v38;
	v3 =	vadd.f32 v3, v33  }
0xe4: {  	v12 =	vld [tilespmem:s20+$0x460];
	v62 =	vmul.f32 v34, v28;
	v61 =	vadd.f32 v7, v8;
	v1 =	vadd.f32 v5, v1  }
0xe5: {  	v63 =	vmul.f32 v34, v30;
	v4 =	vadd.f32 v10, v4;
	v3 =	vadd.f32 v3, v9  }
0xe6: {  	v1 =	vadd.f32 v1, v2;
	v2 =	vadd.f32 v61, v62  }
0xe7: {  	v4 =	vadd.f32 v4, v6;
	v3 =	vadd.f32 v3, v63  }
0xe8: {  	v1 =	vmax.f32 v1, $0.0e+00;
	v2 =	vadd.f32 v2, v11  }
0xe9: {  	[tilespmem:s20+$0x2C40] =	vst v1;
	v1 =	vadd.f32 v3, v12;
	v3 =	vmax.f32 v4, $0.0e+00  }
0xea: {  	s30 =	sadd.s32 $0x1, s30;
	v2 =	vmax.f32 v2, $0.0e+00;
	[tilespmem:s20+$0x2C70] =	vst v3  }
0xeb: {  	p1 =	sne.s32 s30, $0x7D;
	v1 =	vmax.f32 v1, $0.0e+00;
	[tilespmem:s20+$0x2C50] =	vst v2  }
.Ltmp3:
0xec: {  	[tilespmem:s20+$0x2C60] =	vst v1;
	(pc) =	sbr.rel @p1 .LBB2_4-.Ltmp3, $4  }
0xed: {  	[spmem:s1] =	stream.indirect.scatter.add.f32 [tilespmem:s26], [sflag:$0x2], $0x80, s22, s23, $0xb8;
	[tilespmem:$0x1F900] =	vst v63  }
0xee: {  	_ =	swait.ge [sflag:s19], $0x2800  }
0xef: {  	[sflag:s19] =	ssyncset.done $0x0  }
0xf0: {  	[sflag:s19] =	ssyncadd.s32 $0xFFFFD800  }
0xf1: {  	s0 =	sshll.u32 s5, $0x6  }
0xf2: {  	[bflag:$0x0] =	sbarrier.arrive $0xFFFF;
	s18 =	sshrl.u32 s8, $0x3;
	s0 =	sor.u32 $0x1C02, s0  }
0xf3: {  	[hbm:s14], [sflag:s0] =	dma.local [spmem:s18], $0x2700  }
0xf4: {  	_ =	swait.ge [sflag:s19], $0x2700  }
0xf5: {  	s28 =	sadd.s32 $0x1, s28;
	[sflag:s19] =	ssyncset.done $0x0  }
0xf6: {  	p1 =	sne.s32 s28, s16;
	s18 =	sshrl.u32 @!p0 s12, $0x3;
	[sflag:s19] =	ssyncadd.s32 $0xFFFFD900  }
0xf7: {  	[hbm:s15], [sflag:s0] =	dma.local @!p0 [spmem:s18], $0x100  }
.Ltmp4:
0xf8: {  	_ = 	snop;
	(pc) =	sbr.rel @p1 .LBB2_1-.Ltmp4, $4  }
0xf9: {  	s0 =	simm.s32 @!p0 $0x2  }
0xfa: {  	_ =	swait.ge @!p0 [sflag:s0], $0x100  }
0xfb: {  	[sflag:s0] =	ssyncset.done @!p0 $0x0  }
0xfc: {  	[sflag:s0] =	ssyncadd.s32 @!p0 $0xFFFFFF00  }
0xfd: {  	_ =	sfence.sel $0x180000  }
0xfe: {  	[bflag:$0x0] =	sbarrier.arrive $0xFFFF  }
0xff: {  	_ =	strace $0x90000047  }
0x100: {  	[bflag:$0x2] =	sbarrier.arrive $0xFFFF  }
0x101: {  	s0 =	rddreg [dreg:$0x4]  }
0x102: {  	s0 =	sadd.s32 @!p0 $0x100000, s0  }
0x103: {  	[sflag:s0] =	ssyncadd.tile.s32 @!p0 $0x1;
	_ =	shalt  }
.Lfunc_end2:
_tile_overlayer_lowered:
.L_overlay_start_2:
0x104: {  	(tag) =	ssettag $0x2  }
0x105: {  	s0 =	rddreg [dreg:$0x0];
	s2 =	stileid.u32  }
0x106: {  	s1 =	rddreg [dreg:$0x1];
	p0 =	sne.s32 s2, $0x0  }
0x107: {  	s3 =	rddreg [dreg:$0x2];
	[bflag:$0x3] =	sbarrier.arrive $0xFFFF;
	s2 =	simm.s32 @!p0 $0x1C02  }
0x108: {  	[timem:s3], [sflag:s2] =	dma.local @!p0 [hbm:s0], s1  }
0x109: {  	s0 =	simm.s32 @!p0 $0x2  }
0x10a: {  	_ =	swait.ge @!p0 [sflag:s0], s1  }
0x10b: {  	s1 =	ssub.s32 @!p0 $0x0, s1;
	[sflag:s0] =	ssyncset.done @!p0 $0x0  }
0x10c: {  	[sflag:s0] =	ssyncadd.s32 @!p0 s1  }
0x10d: {  	[bflag:$0x3] =	sbarrier.arrive $0xFFFF  }
0x10e: {  	_ =	shalt  }

</sc_bundles>
